<compile_context>
chip_gen: v7x
topology: tpu7x:2x2x1
jax: 0.10.2.dev20260603
libtpu: 0.0.44.dev20260713+nightly
codegen_flags: <defaults>
</compile_context>

<pallas_src>
import functools

import jax
import jax.numpy as jnp
from jax import lax
from jax.experimental import pallas as pl
from jax.experimental.pallas import tpu as pltpu
from jax.experimental.pallas import tpu_sc as plsc

B = 16
N1, S1, K1, R1 = 4096, 512, 32, 0.2
S2, K2, R2 = 128, 64, 0.4
C1T = 16
C2T = 144
C3T = 272
CNT1 = B * S1 * K1
CNT2 = B * S2 * K2
CNT3 = B * S2


def _fps_body(npoint, x_ref, y_ref, z_ref, cx_ref, cy_ref, cz_ref):
    b, n = x_ref.shape
    xs = x_ref[...]
    ys = y_ref[...]
    zs = z_ref[...]
    iota_n = jax.lax.broadcasted_iota(jnp.int32, (b, n), 1)
    iota_s = jax.lax.broadcasted_iota(jnp.int32, (b, npoint), 1)

    def body(i, carry):
        dist, far, cxh, cyh, czh = carry
        mask = iota_n == far
        cx = jnp.sum(jnp.where(mask, xs, 0.0), axis=1, keepdims=True)
        cy = jnp.sum(jnp.where(mask, ys, 0.0), axis=1, keepdims=True)
        cz = jnp.sum(jnp.where(mask, zs, 0.0), axis=1, keepdims=True)
        hit = iota_s == i
        cxh = jnp.where(hit, cx, cxh)
        cyh = jnp.where(hit, cy, cyh)
        czh = jnp.where(hit, cz, czh)
        dx = xs - cx
        dy = ys - cy
        dz = zs - cz
        d = (dx * dx + dy * dy) + dz * dz
        dist = jnp.minimum(dist, d)
        m = jnp.max(dist, axis=1, keepdims=True)
        far = jnp.min(jnp.where(dist == m, iota_n, n), axis=1, keepdims=True)
        return dist, far, cxh, cyh, czh

    init = (
        jnp.full((b, n), 1e10, jnp.float32),
        jnp.zeros((b, 1), jnp.int32),
        jnp.zeros((b, npoint), jnp.float32),
        jnp.zeros((b, npoint), jnp.float32),
        jnp.zeros((b, npoint), jnp.float32),
    )
    _, _, cxh, cyh, czh = jax.lax.fori_loop(0, npoint, body, init)
    cx_ref[...] = cxh
    cy_ref[...] = cyh
    cz_ref[...] = czh


def _fps(xs, ys, zs, npoint):
    b, n = xs.shape
    out = jax.ShapeDtypeStruct((b, npoint), jnp.float32)
    return pl.pallas_call(
        functools.partial(_fps_body, npoint),
        out_shape=[out, out, out],
    )(xs, ys, zs)


def _bq_body(K, r2, npts, cx_ref, cy_ref, cz_ref, x_ref, y_ref, z_ref,
             out_ref):
    s = cx_ref.shape[1]
    n = x_ref.shape[2]
    cxs = cx_ref[0]
    cys = cy_ref[0]
    czs = cz_ref[0]
    px = x_ref[0]
    py = y_ref[0]
    pz = z_ref[0]
    bf = jnp.bfloat16
    bcx = cxs.astype(bf).astype(jnp.float32)
    bcy = cys.astype(bf).astype(jnp.float32)
    bcz = czs.astype(bf).astype(jnp.float32)
    bpx = px.astype(bf).astype(jnp.float32)
    bpy = py.astype(bf).astype(jnp.float32)
    bpz = pz.astype(bf).astype(jnp.float32)
    cross = (bcx * bpx + bcz * bpz) + bcy * bpy
    s2 = (cxs * cxs + czs * czs) + cys * cys
    p2 = (px * px + pz * pz) + py * py
    d = (-2.0 * cross + s2) + p2
    iota = jax.lax.broadcasted_iota(jnp.int32, (s, n), 1)
    cand = jnp.where(jnp.logical_not(d > r2), iota, n)
    iota_k = jax.lax.broadcasted_iota(jnp.int32, (s, K), 1)
    first = jnp.min(cand, axis=1, keepdims=True)
    out0 = jnp.broadcast_to(first, (s, K))

    def cond(state):
        k, prev, _ = state
        return jnp.logical_and(k < K, jnp.min(prev) < n)

    def body(state):
        k, prev, out = state
        val = jnp.where(cand > prev, cand, n)
        cur = jnp.min(val, axis=1, keepdims=True)
        colv = jnp.where(cur == n, first, cur)
        out = jnp.where(iota_k == k, colv, out)
        return k + 1, cur, out

    _, _, out = jax.lax.while_loop(cond, body, (jnp.int32(1), first, out0))
    out = jnp.minimum(out, n - 1)
    out_ref[0] = out + pl.program_id(0) * npts


def _ball_query(cxT, cyT, czT, xs, ys, zs, K, radius):
    s = cxT.shape[1]
    b, n = xs.shape
    cspec = pl.BlockSpec((1, s, 1), lambda i: (i, 0, 0))
    pspec = pl.BlockSpec((1, 1, n), lambda i: (i, 0, 0))
    return pl.pallas_call(
        functools.partial(_bq_body, K, radius * radius, n),
        grid=(b,),
        in_specs=[cspec, cspec, cspec, pspec, pspec, pspec],
        out_specs=pl.BlockSpec((1, s, K), lambda i: (i, 0, 0)),
        out_shape=jax.ShapeDtypeStruct((b, s, K), jnp.int32),
    )(cxT, cyT, czT, xs[:, None, :], ys[:, None, :], zs[:, None, :])


def _mlp_body(S, K, centered, g_ref, wt_ref, bias_ref,
              cx_ref, cy_ref, cz_ref,
              pmax_ref, pmin_ref, sh_ref, sh2_ref):
    c = g_ref.shape[2]
    co = wt_ref.shape[1]
    g3 = g_ref[0].reshape(S, K, c)
    if centered:
        ctr = jnp.concatenate(
            [cx_ref[0], cy_ref[0], cz_ref[0],
             jnp.zeros((S, c - 3), jnp.float32)], axis=1)
        g3 = g3 - ctr[:, None, :]
    gb = g3.astype(jnp.bfloat16).reshape(S * K, c)
    wb = wt_ref[...].astype(jnp.bfloat16)
    h = jnp.dot(gb, wb, preferred_element_type=jnp.float32)
    h3 = h.reshape(S, K, co) + bias_ref[...][:, None, :]
    pmax_ref[0] = jnp.max(h3, axis=1)
    pmin_ref[0] = jnp.min(h3, axis=1)
    sh = jnp.sum(jnp.sum(h3, axis=1), axis=0, keepdims=True)
    sq = h3 * h3
    sh2 = jnp.sum(jnp.sum(sq, axis=1), axis=0, keepdims=True)

    @pl.when(pl.program_id(0) == 0)
    def _():
        sh_ref[...] = jnp.zeros_like(sh_ref)
        sh2_ref[...] = jnp.zeros_like(sh2_ref)

    sh_ref[...] += sh
    sh2_ref[...] += sh2


def _mlp_pool(g, wt, bias, cxT, cyT, czT, S, K, centered):
    b = g.shape[0]
    c = g.shape[2]
    co = wt.shape[1]
    cspec = pl.BlockSpec((1, S, 1), lambda i: (i, 0, 0))
    acc = pl.BlockSpec((1, co), lambda i: (0, 0))
    return pl.pallas_call(
        functools.partial(_mlp_body, S, K, centered),
        grid=(b,),
        in_specs=[
            pl.BlockSpec((1, S * K, c), lambda i: (i, 0, 0)),
            pl.BlockSpec((c, co), lambda i: (0, 0)),
            pl.BlockSpec((1, co), lambda i: (0, 0)),
            cspec, cspec, cspec,
        ],
        out_specs=[
            pl.BlockSpec((1, S, co), lambda i: (i, 0, 0)),
            pl.BlockSpec((1, S, co), lambda i: (i, 0, 0)),
            acc, acc,
        ],
        out_shape=[
            jax.ShapeDtypeStruct((b, S, co), jnp.float32),
            jax.ShapeDtypeStruct((b, S, co), jnp.float32),
            jax.ShapeDtypeStruct((1, co), jnp.float32),
            jax.ShapeDtypeStruct((1, co), jnp.float32),
        ],
    )(g, wt, bias, cxT, cyT, czT)


def _bn_body(cnt, ct, pmax_ref, pmin_ref, sh_ref, sh2_ref, gam_ref,
             bet_ref, cx_ref, cy_ref, cz_ref, tbl_ref):
    s, co = pmax_ref.shape[1], pmax_ref.shape[2]
    mu = sh_ref[...] * (1.0 / cnt)
    var = jnp.maximum(sh2_ref[...] * (1.0 / cnt) - mu * mu, 0.0)
    inv = 1.0 / jnp.sqrt(var + 1e-5)
    a = inv * gam_ref[...]
    cc = bet_ref[...] - mu * a
    sel = jnp.where(a >= 0.0, pmax_ref[0], pmin_ref[0])
    y = jnp.maximum(sel * a + cc, 0.0)
    tbl = jnp.concatenate(
        [cx_ref[0], cy_ref[0], cz_ref[0], y,
         jnp.zeros((s, ct - 3 - co), jnp.float32)], axis=1)
    tbl_ref[0] = tbl


def _bn_table(pmax, pmin, sh, sh2, gam, bet, cxT, cyT, czT, cnt, ct):
    b, s, co = pmax.shape
    cspec = pl.BlockSpec((1, s, 1), lambda i: (i, 0, 0))
    stat = pl.BlockSpec((1, co), lambda i: (0, 0))
    return pl.pallas_call(
        functools.partial(_bn_body, cnt, ct),
        grid=(b,),
        in_specs=[
            pl.BlockSpec((1, s, co), lambda i: (i, 0, 0)),
            pl.BlockSpec((1, s, co), lambda i: (i, 0, 0)),
            stat, stat, stat, stat,
            cspec, cspec, cspec,
        ],
        out_specs=pl.BlockSpec((1, s, ct), lambda i: (i, 0, 0)),
        out_shape=jax.ShapeDtypeStruct((b, s, ct), jnp.float32),
    )(pmax, pmin, sh, sh2, gam, bet, cxT, cyT, czT)


def _final_body(cnt, pmax_ref, pmin_ref, sh_ref, sh2_ref, gam_ref, bet_ref,
                wfct_ref, bfc_ref, out_ref):
    mu = sh_ref[...] * (1.0 / cnt)
    var = jnp.maximum(sh2_ref[...] * (1.0 / cnt) - mu * mu, 0.0)
    inv = 1.0 / jnp.sqrt(var + 1e-5)
    a = inv * gam_ref[...]
    cc = bet_ref[...] - mu * a
    sel = jnp.where(a >= 0.0, pmax_ref[:, 0, :], pmin_ref[:, 0, :])
    y = jnp.maximum(sel * a + cc, 0.0)
    out_ref[...] = (jnp.dot(y.astype(jnp.bfloat16),
                            wfct_ref[...].astype(jnp.bfloat16),
                            preferred_element_type=jnp.float32)
                    + bfc_ref[...])


def _final(pmax, pmin, sh, sh2, gam, bet, wfct, bfc):
    b = pmax.shape[0]
    cf = wfct.shape[1]
    return pl.pallas_call(
        functools.partial(_final_body, CNT3),
        out_shape=jax.ShapeDtypeStruct((b, cf), jnp.float32),
    )(pmax, pmin, sh, sh2, gam, bet, wfct, bfc)


def _gather_rows(tbl2d, idx, chunk):
    b, s, k = idx.shape
    m = b * s * k
    c = tbl2d.shape[1]
    info = plsc.get_sparse_core_info()
    nw = info.num_cores * info.num_subcores
    per_w = m // nw
    nch = per_w // chunk
    assert per_w * nw == m and nch * chunk == per_w and nch % 2 == 0
    mesh = plsc.VectorSubcoreMesh(core_axis_name="c", subcore_axis_name="s")

    @functools.partial(
        pl.kernel, mesh=mesh,
        out_type=jax.ShapeDtypeStruct((m, c), jnp.float32),
        compiler_params=pltpu.CompilerParams(use_tc_tiling_on_sc=False),
        scratch_types=[
            pltpu.VMEM((per_w,), jnp.int32),
            pltpu.VMEM((chunk, c), jnp.float32),
            pltpu.VMEM((chunk, c), jnp.float32),
            pltpu.SemaphoreType.DMA,
            pltpu.SemaphoreType.DMA,
        ],
    )
    def kern(tbl_hbm, idx_hbm, out_hbm, idx_v, rows0, rows1, sem0, sem1):
        wid = lax.axis_index("s") * info.num_cores + lax.axis_index("c")
        base = wid * per_w
        pltpu.sync_copy(idx_hbm.at[pl.ds(base, per_w)], idx_v)
        pltpu.async_copy(tbl_hbm.at[idx_v.at[pl.ds(0, chunk)]], rows0,
                         sem0)

        def body(j2, carry):
            j = j2 * 2
            pltpu.async_copy(
                tbl_hbm.at[idx_v.at[pl.ds((j + 1) * chunk, chunk)]],
                rows1, sem1)
            pltpu.make_async_copy(
                tbl_hbm.at[idx_v.at[pl.ds(0, chunk)]], rows0, sem0).wait()
            pltpu.sync_copy(rows0, out_hbm.at[pl.ds(base + j * chunk,
                                                    chunk)])

            @pl.when(j + 2 < nch)
            def _():
                pltpu.async_copy(
                    tbl_hbm.at[idx_v.at[pl.ds((j + 2) * chunk, chunk)]],
                    rows0, sem0)

            pltpu.make_async_copy(
                tbl_hbm.at[idx_v.at[pl.ds(0, chunk)]], rows1, sem1).wait()
            pltpu.sync_copy(rows1, out_hbm.at[pl.ds(base + (j + 1) * chunk,
                                                    chunk)])
            return carry

        lax.fori_loop(0, nch // 2, body, 0)

    out = kern(tbl2d, idx.reshape(m))
    return out.reshape(b, s * k, c)


def kernel(xyz, W1, b1, g1, be1, W2, b2, g2, be2, W3, b3, g3, be3, Wfc, bfc):
    f32 = jnp.float32
    xs = xyz[:, :, 0]
    ys = xyz[:, :, 1]
    zs = xyz[:, :, 2]

    c1x, c1y, c1z = _fps(xs, ys, zs, S1)
    c1xT, c1yT, c1zT = c1x[:, :, None], c1y[:, :, None], c1z[:, :, None]
    idx1 = _ball_query(c1xT, c1yT, c1zT, xs, ys, zs, K1, R1)

    tbl0 = jnp.zeros((B, N1, C1T), f32).at[:, :, 0].set(xs)
    tbl0 = tbl0.at[:, :, 1].set(ys).at[:, :, 2].set(zs)
    g1rows = _gather_rows(tbl0.reshape(B * N1, C1T), idx1, chunk=1024)

    wt1 = jnp.zeros((C1T, 128), f32).at[0:3, :].set(W1.T)
    p1max, p1min, sh1, sh1sq = _mlp_pool(
        g1rows, wt1, b1[None, :], c1xT, c1yT, c1zT, S1, K1, True)
    tbl1 = _bn_table(p1max, p1min, sh1, sh1sq, g1[None, :], be1[None, :],
                     c1xT, c1yT, c1zT, CNT1, C2T)

    c2x, c2y, c2z = _fps(c1x, c1y, c1z, S2)
    c2xT, c2yT, c2zT = c2x[:, :, None], c2y[:, :, None], c2z[:, :, None]
    idx2 = _ball_query(c2xT, c2yT, c2zT, c1x, c1y, c1z, K2, R2)
    g2rows = _gather_rows(tbl1.reshape(B * S1, C2T), idx2, chunk=128)

    wt2 = jnp.zeros((C2T, 256), f32).at[0:131, :].set(W2.T)
    p2max, p2min, sh2, sh2sq = _mlp_pool(
        g2rows, wt2, b2[None, :], c2xT, c2yT, c2zT, S2, K2, True)
    tbl2 = _bn_table(p2max, p2min, sh2, sh2sq, g2[None, :], be2[None, :],
                     c2xT, c2yT, c2zT, CNT2, C3T)

    wt3 = jnp.zeros((C3T, 512), f32).at[0:259, :].set(W3.T)
    zcol = jnp.zeros((B, 1, 1), f32)
    p3max, p3min, sh3, sh3sq = _mlp_pool(
        tbl2, wt3, b3[None, :], zcol, zcol, zcol, 1, S2, False)
    out = _final(p3max, p3min, sh3, sh3sq, g3[None, :], be3[None, :],
                 Wfc.T, bfc[None, :])
    return out

# --- scband reference (transcript-rebuilt; emitter-appended) ---
"""Pipeline reference for scband-point-net2-encoder-66520453480973 (READ-ONLY COPY).

The authoritative reference and input builder live on the scoring server;
editing this copy changes nothing except your own understanding.
"""

import jax, jax.numpy as jnp
import numpy as np


def square_distance(src, dst):
    d = -2.0 * jnp.einsum('bnc,bmc->bnm', src, dst)
    d = d + jnp.sum(src ** 2, -1)[:, :, None]
    d = d + jnp.sum(dst ** 2, -1)[:, None, :]
    return d


def index_points(points, idx):
    return jax.vmap(lambda p, i: p[i])(points, idx)


def farthest_point_sample(xyz, npoint):
    xyz = jax.lax.stop_gradient(xyz)
    B, N, _ = xyz.shape
    def body(i, state):
        centroids, distance, farthest = state
        centroids = centroids.at[:, i].set(farthest)
        centroid = xyz[jnp.arange(B), farthest, :][:, None, :]
        dist = jnp.sum((xyz - centroid) ** 2, -1)
        distance = jnp.minimum(distance, dist)
        farthest = jnp.argmax(distance, -1).astype(jnp.int32)
        return (centroids, distance, farthest)
    state = (jnp.zeros((B, npoint), jnp.int32),
             jnp.full((B, N), 1e10, xyz.dtype),
             jnp.zeros((B,), jnp.int32))
    centroids, _, _ = jax.lax.fori_loop(0, npoint, body, state)
    return centroids


def query_ball_point(radius, nsample, xyz, new_xyz):
    xyz = jax.lax.stop_gradient(xyz)
    new_xyz = jax.lax.stop_gradient(new_xyz)
    B, N, _ = xyz.shape
    S = new_xyz.shape[1]
    sqrdists = square_distance(new_xyz, xyz)
    grp = jnp.broadcast_to(jnp.arange(N, dtype=jnp.int32), (B, S, N))
    grp = jnp.where(sqrdists > radius ** 2, N, grp)
    grp = jnp.sort(grp, axis=-1)[:, :, :nsample]
    first = grp[:, :, :1]
    grp = jnp.where(grp == N, jnp.broadcast_to(first, grp.shape), grp)
    return grp


def sample_and_group(npoint, radius, nsample, xyz, points):
    fps_idx = farthest_point_sample(xyz, npoint)
    new_xyz = index_points(xyz, fps_idx)
    idx = query_ball_point(radius, nsample, xyz, new_xyz)
    grouped_xyz = index_points(xyz, idx)
    grouped_xyz_norm = grouped_xyz - new_xyz[:, :, None, :]
    if points is not None:
        grouped_points = index_points(points, idx)
        new_points = jnp.concatenate([grouped_xyz_norm, grouped_points], -1)
    else:
        new_points = grouped_xyz_norm
    return new_xyz, new_points


def set_abstraction(xyz, points, npoint, radius, nsample, W, b, gamma, beta, group_all):
    xyz = jnp.transpose(xyz, (0, 2, 1))
    if points is not None:
        points = jnp.transpose(points, (0, 2, 1))
    if group_all:
        B, N, C = xyz.shape
        new_xyz = jnp.zeros((B, 1, C), xyz.dtype)
        grouped_xyz = xyz[:, None, :, :]
        if points is not None:
            new_points = jnp.concatenate([grouped_xyz, points[:, None, :, :]], -1)
        else:
            new_points = grouped_xyz
    else:
        new_xyz, new_points = sample_and_group(npoint, radius, nsample, xyz, points)
    h = jnp.transpose(new_points, (0, 3, 2, 1))
    h = jnp.einsum('oc,bcks->boks', W, h) + b[None, :, None, None]
    mean = jnp.mean(h, axis=(0, 2, 3), keepdims=True)
    var = jnp.var(h, axis=(0, 2, 3), keepdims=True)
    h = (h - mean) / jnp.sqrt(var + 1e-5) * gamma[None, :, None, None] + beta[None, :, None, None]
    h = jax.nn.relu(h)
    new_points_out = jnp.max(h, axis=2)
    new_xyz = jnp.transpose(new_xyz, (0, 2, 1))
    return new_xyz, new_points_out


def setup_inputs(seed: int = 0):
    key = jax.random.key(seed)
    ks = jax.random.split(key, 8)
    inp = {}
    inp['xyz'] = jax.random.normal(ks[0], (16, 4096, 3), jnp.float32)
    inp['W1'] = jax.random.normal(ks[1], (128, 3), jnp.float32) * 0.1
    inp['b1'] = jnp.zeros((128,), jnp.float32)
    inp['g1'] = jnp.ones((128,), jnp.float32)
    inp['be1'] = jnp.zeros((128,), jnp.float32)
    inp['W2'] = jax.random.normal(ks[2], (256, 131), jnp.float32) * 0.05
    inp['b2'] = jnp.zeros((256,), jnp.float32)
    inp['g2'] = jnp.ones((256,), jnp.float32)
    inp['be2'] = jnp.zeros((256,), jnp.float32)
    inp['W3'] = jax.random.normal(ks[3], (512, 259), jnp.float32) * 0.05
    inp['b3'] = jnp.zeros((512,), jnp.float32)
    inp['g3'] = jnp.ones((512,), jnp.float32)
    inp['be3'] = jnp.zeros((512,), jnp.float32)
    inp['Wfc'] = jax.random.normal(ks[4], (256, 512), jnp.float32) * 0.02
    inp['bfc'] = jnp.zeros((256,), jnp.float32)
    return inp


def reference(xyz, W1, b1, g1, be1, W2, b2, g2, be2, W3, b3, g3, be3, Wfc, bfc):
    x = jnp.transpose(xyz, (0, 2, 1))
    l1_xyz, l1_points = set_abstraction(x, None, 512, 0.2, 32, W1, b1, g1, be1, False)
    l2_xyz, l2_points = set_abstraction(l1_xyz, l1_points, 128, 0.4, 64, W2, b2, g2, be2, False)
    l3_xyz, l3_points = set_abstraction(l2_xyz, l2_points, None, None, None, W3, b3, g3, be3, True)
    B = xyz.shape[0]
    xf = l3_points.reshape(B, 512)
    out = xf @ Wfc.T + bfc
    return out

if __name__ == "__main__":
    import jax
    _d = setup_inputs()
    print(jax.jit(kernel)(*tuple(_d.values())))

</pallas_src>

<mosaic_0001>
#map = affine_map<(d0, d1) -> (0, 0)>
#map1 = affine_map<(d0, d1) -> (0)>
module attributes {stable_mosaic.version = 14 : i64} {
  func.func @kern(%arg0: i32, %arg1: i32, %arg2: memref<65536x16xf32, #tpu.memory_space<hbm>>, %arg3: memref<262144xi32, #tpu.memory_space<hbm>>, %arg4: memref<262144x16xf32, #tpu.memory_space<hbm>>, %arg5: memref<8192xi32, #tpu.memory_space<vmem>>, %arg6: memref<1024x16xf32, #tpu.memory_space<vmem>>, %arg7: memref<1024x16xf32, #tpu.memory_space<vmem>>, %arg8: memref<!tpu.dma_semaphore, #tpu.memory_space<semaphore_mem>>, %arg9: memref<!tpu.dma_semaphore, #tpu.memory_space<semaphore_mem>>) attributes {dimension_semantics = [#tpu.dimension_semantics<core_parallel>, #tpu.dimension_semantics<subcore_parallel>], iteration_bounds = array<i64: 2, 16>, scalar_prefetch = 0 : i64, scratch_operands = 5 : i64, tpu.core_type = #tpu.core_type<sc_vector_subcore>, window_params = [{transform_indices = #map}, {transform_indices = #map1}, {transform_indices = #map}]} {
    %mul3A = arith.constant 2 : i32
    %mul3A_0 = arith.muli %arg1, %mul3A : i32
    %add3A = arith.addi %mul3A_0, %arg0 : i32
    %mul3A_1 = arith.constant 8192 : i32
    %mul3A_2 = arith.muli %add3A, %mul3A_1 : i32
    "tpu.region"() ({
      %run_scoped3A = tpu.sem_alloc : memref<!tpu.dma_semaphore, #tpu.memory_space<semaphore_mem>>
      %dma_start3A_12 = tpu.memref_slice %arg3[%mul3A_2] : memref<262144xi32, #tpu.memory_space<hbm>> -> memref<8192xi32, #tpu.memory_space<hbm>>
      %dma_start3A_13 = tpu.memref_slice %arg3[%mul3A_2] : memref<262144xi32, #tpu.memory_space<hbm>> -> memref<8192xi32, #tpu.memory_space<hbm>>
      tpu.enqueue_dma source(%dma_start3A_13 : memref<8192xi32, #tpu.memory_space<hbm>>) target(%arg5 : memref<8192xi32, #tpu.memory_space<vmem>>) target_semaphore(%run_scoped3A : memref<!tpu.dma_semaphore, #tpu.memory_space<semaphore_mem>>)
      %dma_wait3A = tpu.memref_slice %arg3[%mul3A_2] : memref<262144xi32, #tpu.memory_space<hbm>> -> memref<8192xi32, #tpu.memory_space<hbm>>
      %dma_wait3A_14 = tpu.memref_slice %arg3[%mul3A_2] : memref<262144xi32, #tpu.memory_space<hbm>> -> memref<8192xi32, #tpu.memory_space<hbm>>
      tpu.wait_dma2 semaphore(%run_scoped3A : memref<!tpu.dma_semaphore, #tpu.memory_space<semaphore_mem>>) src(%dma_wait3A_14 : memref<8192xi32, #tpu.memory_space<hbm>>) dst(%arg5 : memref<8192xi32, #tpu.memory_space<vmem>>)
      tpu.yield
    }) : () -> ()
    %dma_start3A = arith.constant 0 : i32
    %dma_start3A_3 = tpu.memref_slice %arg5[%dma_start3A] : memref<8192xi32, #tpu.memory_space<vmem>> -> memref<1024xi32, #tpu.memory_space<vmem>>
    %dma_start3A_4 = arith.constant 0 : i32
    %dma_start3A_5 = arith.constant 0 : i32
    %dma_start3A_6 = tpu.memref_slice %arg2[%dma_start3A_4, %dma_start3A_5] : memref<65536x16xf32, #tpu.memory_space<hbm>> -> memref<65536x16xf32, #tpu.memory_space<hbm>>
    tpu.enqueue_indirect_dma source(%dma_start3A_6 : memref<65536x16xf32, #tpu.memory_space<hbm>>) target(%arg6 : memref<1024x16xf32, #tpu.memory_space<vmem>>) offsets(%dma_start3A_3 : memref<1024xi32, #tpu.memory_space<vmem>>) semaphore(%arg8 : memref<!tpu.dma_semaphore, #tpu.memory_space<semaphore_mem>>)
    %scan3A = arith.constant 0 : i32
    %scan3A_7 = arith.constant 0 : i32
    %scan3A_8 = arith.constant 4 : i32
    %scan3A_9 = arith.addi %scan3A_7, %scan3A_8 : i32
    %scan3A_10 = arith.constant 1 : i32
    scf.for %scan3A_12 = %scan3A_7 to %scan3A_9 step %scan3A_10  : i32 {
      %mul3A_13 = arith.constant 2 : i32
      %mul3A_14 = arith.muli %scan3A_12, %mul3A_13 : i32
      %add3A_15 = arith.constant 1 : i32
      %add3A_16 = arith.addi %mul3A_14, %add3A_15 : i32
      %mul3A_17 = arith.constant 1024 : i32
      %mul3A_18 = arith.muli %add3A_16, %mul3A_17 : i32
      %dma_start3A_19 = tpu.memref_slice %arg5[%mul3A_18] : memref<8192xi32, #tpu.memory_space<vmem>> -> memref<1024xi32, #tpu.memory_space<vmem>>
      %dma_start3A_20 = arith.constant 0 : i32
      %dma_start3A_21 = arith.constant 0 : i32
      %dma_start3A_22 = tpu.memref_slice %arg2[%dma_start3A_20, %dma_start3A_21] : memref<65536x16xf32, #tpu.memory_space<hbm>> -> memref<65536x16xf32, #tpu.memory_space<hbm>>
      tpu.enqueue_indirect_dma source(%dma_start3A_22 : memref<65536x16xf32, #tpu.memory_space<hbm>>) target(%arg7 : memref<1024x16xf32, #tpu.memory_space<vmem>>) offsets(%dma_start3A_19 : memref<1024xi32, #tpu.memory_space<vmem>>) semaphore(%arg9 : memref<!tpu.dma_semaphore, #tpu.memory_space<semaphore_mem>>)
      %dma_wait3A = arith.constant 0 : i32
      %dma_wait3A_23 = tpu.memref_slice %arg5[%dma_wait3A] : memref<8192xi32, #tpu.memory_space<vmem>> -> memref<1024xi32, #tpu.memory_space<vmem>>
      %dma_wait3A_24 = arith.constant 0 : i32
      %dma_wait3A_25 = arith.constant 0 : i32
      %dma_wait3A_26 = tpu.memref_slice %arg2[%dma_wait3A_24, %dma_wait3A_25] : memref<65536x16xf32, #tpu.memory_space<hbm>> -> memref<65536x16xf32, #tpu.memory_space<hbm>>
      tpu.wait_indirect_dma semaphore(%arg8 : memref<!tpu.dma_semaphore, #tpu.memory_space<semaphore_mem>>) src(%dma_wait3A_26 : memref<65536x16xf32, #tpu.memory_space<hbm>>) dst(%arg6 : memref<1024x16xf32, #tpu.memory_space<vmem>>)
      %mul3A_27 = arith.constant 1024 : i32
      %mul3A_28 = arith.muli %mul3A_14, %mul3A_27 : i32
      %add3A_29 = arith.addi %mul3A_2, %mul3A_28 : i32
      "tpu.region"() ({
        %run_scoped3A = tpu.sem_alloc : memref<!tpu.dma_semaphore, #tpu.memory_space<semaphore_mem>>
        %dma_start3A_44 = arith.constant 0 : i32
        %dma_start3A_45 = tpu.memref_slice %arg4[%add3A_29, %dma_start3A_44] : memref<262144x16xf32, #tpu.memory_space<hbm>> -> memref<1024x16xf32, #tpu.memory_space<hbm>>
        %dma_start3A_46 = arith.constant 0 : i32
        %dma_start3A_47 = tpu.memref_slice %arg4[%add3A_29, %dma_start3A_46] : memref<262144x16xf32, #tpu.memory_space<hbm>> -> memref<1024x16xf32, #tpu.memory_space<hbm>>
        tpu.enqueue_dma source(%arg6 : memref<1024x16xf32, #tpu.memory_space<vmem>>) target(%dma_start3A_47 : memref<1024x16xf32, #tpu.memory_space<hbm>>) target_semaphore(%run_scoped3A : memref<!tpu.dma_semaphore, #tpu.memory_space<semaphore_mem>>)
        %dma_wait3A_48 = arith.constant 0 : i32
        %dma_wait3A_49 = tpu.memref_slice %arg4[%add3A_29, %dma_wait3A_48] : memref<262144x16xf32, #tpu.memory_space<hbm>> -> memref<1024x16xf32, #tpu.memory_space<hbm>>
        %dma_wait3A_50 = arith.constant 0 : i32
        %dma_wait3A_51 = tpu.memref_slice %arg4[%add3A_29, %dma_wait3A_50] : memref<262144x16xf32, #tpu.memory_space<hbm>> -> memref<1024x16xf32, #tpu.memory_space<hbm>>
        tpu.wait_dma2 semaphore(%run_scoped3A : memref<!tpu.dma_semaphore, #tpu.memory_space<semaphore_mem>>) src(%arg6 : memref<1024x16xf32, #tpu.memory_space<vmem>>) dst(%dma_wait3A_51 : memref<1024x16xf32, #tpu.memory_space<hbm>>)
        tpu.yield
      }) : () -> ()
      %add3A_30 = arith.constant 2 : i32
      %add3A_31 = arith.addi %mul3A_14, %add3A_30 : i32
      %lt3A = arith.constant 8 : i32
      %lt3A_32 = arith.cmpi slt, %add3A_31, %lt3A : i32
      %convert_element_type3A = arith.extui %lt3A_32 : i1 to i32
      %cond3A = arith.constant 0 : i32
      %cond3A_33 = arith.cmpi ne, %convert_element_type3A, %cond3A : i32
      scf.if %cond3A_33 {
        %add3A_44 = arith.constant 2 : i32
        %add3A_45 = arith.addi %mul3A_14, %add3A_44 : i32
        %mul3A_46 = arith.constant 1024 : i32
        %mul3A_47 = arith.muli %add3A_45, %mul3A_46 : i32
        %dma_start3A_48 = tpu.memref_slice %arg5[%mul3A_47] : memref<8192xi32, #tpu.memory_space<vmem>> -> memref<1024xi32, #tpu.memory_space<vmem>>
        %dma_start3A_49 = arith.constant 0 : i32
        %dma_start3A_50 = arith.constant 0 : i32
        %dma_start3A_51 = tpu.memref_slice %arg2[%dma_start3A_49, %dma_start3A_50] : memref<65536x16xf32, #tpu.memory_space<hbm>> -> memref<65536x16xf32, #tpu.memory_space<hbm>>
        tpu.enqueue_indirect_dma source(%dma_start3A_51 : memref<65536x16xf32, #tpu.memory_space<hbm>>) target(%arg6 : memref<1024x16xf32, #tpu.memory_space<vmem>>) offsets(%dma_start3A_48 : memref<1024xi32, #tpu.memory_space<vmem>>) semaphore(%arg8 : memref<!tpu.dma_semaphore, #tpu.memory_space<semaphore_mem>>)
      } else {
      }
      %dma_wait3A_34 = arith.constant 0 : i32
      %dma_wait3A_35 = tpu.memref_slice %arg5[%dma_wait3A_34] : memref<8192xi32, #tpu.memory_space<vmem>> -> memref<1024xi32, #tpu.memory_space<vmem>>
      %dma_wait3A_36 = arith.constant 0 : i32
      %dma_wait3A_37 = arith.constant 0 : i32
      %dma_wait3A_38 = tpu.memref_slice %arg2[%dma_wait3A_36, %dma_wait3A_37] : memref<65536x16xf32, #tpu.memory_space<hbm>> -> memref<65536x16xf32, #tpu.memory_space<hbm>>
      tpu.wait_indirect_dma semaphore(%arg9 : memref<!tpu.dma_semaphore, #tpu.memory_space<semaphore_mem>>) src(%dma_wait3A_38 : memref<65536x16xf32, #tpu.memory_space<hbm>>) dst(%arg7 : memref<1024x16xf32, #tpu.memory_space<vmem>>)
      %add3A_39 = arith.constant 1 : i32
      %add3A_40 = arith.addi %mul3A_14, %add3A_39 : i32
      %mul3A_41 = arith.constant 1024 : i32
      %mul3A_42 = arith.muli %add3A_40, %mul3A_41 : i32
      %add3A_43 = arith.addi %mul3A_2, %mul3A_42 : i32
      "tpu.region"() ({
        %run_scoped3A = tpu.sem_alloc : memref<!tpu.dma_semaphore, #tpu.memory_space<semaphore_mem>>
        %dma_start3A_44 = arith.constant 0 : i32
        %dma_start3A_45 = tpu.memref_slice %arg4[%add3A_43, %dma_start3A_44] : memref<262144x16xf32, #tpu.memory_space<hbm>> -> memref<1024x16xf32, #tpu.memory_space<hbm>>
        %dma_start3A_46 = arith.constant 0 : i32
        %dma_start3A_47 = tpu.memref_slice %arg4[%add3A_43, %dma_start3A_46] : memref<262144x16xf32, #tpu.memory_space<hbm>> -> memref<1024x16xf32, #tpu.memory_space<hbm>>
        tpu.enqueue_dma source(%arg7 : memref<1024x16xf32, #tpu.memory_space<vmem>>) target(%dma_start3A_47 : memref<1024x16xf32, #tpu.memory_space<hbm>>) target_semaphore(%run_scoped3A : memref<!tpu.dma_semaphore, #tpu.memory_space<semaphore_mem>>)
        %dma_wait3A_48 = arith.constant 0 : i32
        %dma_wait3A_49 = tpu.memref_slice %arg4[%add3A_43, %dma_wait3A_48] : memref<262144x16xf32, #tpu.memory_space<hbm>> -> memref<1024x16xf32, #tpu.memory_space<hbm>>
        %dma_wait3A_50 = arith.constant 0 : i32
        %dma_wait3A_51 = tpu.memref_slice %arg4[%add3A_43, %dma_wait3A_50] : memref<262144x16xf32, #tpu.memory_space<hbm>> -> memref<1024x16xf32, #tpu.memory_space<hbm>>
        tpu.wait_dma2 semaphore(%run_scoped3A : memref<!tpu.dma_semaphore, #tpu.memory_space<semaphore_mem>>) src(%arg7 : memref<1024x16xf32, #tpu.memory_space<vmem>>) dst(%dma_wait3A_51 : memref<1024x16xf32, #tpu.memory_space<hbm>>)
        tpu.yield
      }) : () -> ()
    }
    %scan3A_11 = arith.constant 4 : i32
    return
  }
}

#map = affine_map<(d0, d1) -> (0, 0)>
#map1 = affine_map<(d0, d1) -> (0)>
module attributes {stable_mosaic.version = 14 : i64} {
  func.func @kern(%arg0: i32, %arg1: i32, %arg2: memref<8192x144xf32, #tpu.memory_space<hbm>>, %arg3: memref<131072xi32, #tpu.memory_space<hbm>>, %arg4: memref<131072x144xf32, #tpu.memory_space<hbm>>, %arg5: memref<4096xi32, #tpu.memory_space<vmem>>, %arg6: memref<128x144xf32, #tpu.memory_space<vmem>>, %arg7: memref<128x144xf32, #tpu.memory_space<vmem>>, %arg8: memref<!tpu.dma_semaphore, #tpu.memory_space<semaphore_mem>>, %arg9: memref<!tpu.dma_semaphore, #tpu.memory_space<semaphore_mem>>) attributes {dimension_semantics = [#tpu.dimension_semantics<core_parallel>, #tpu.dimension_semantics<subcore_parallel>], iteration_bounds = array<i64: 2, 16>, scalar_prefetch = 0 : i64, scratch_operands = 5 : i64, tpu.core_type = #tpu.core_type<sc_vector_subcore>, window_params = [{transform_indices = #map}, {transform_indices = #map1}, {transform_indices = #map}]} {
    %mul3A = arith.constant 2 : i32
    %mul3A_0 = arith.muli %arg1, %mul3A : i32
    %add3A = arith.addi %mul3A_0, %arg0 : i32
    %mul3A_1 = arith.constant 4096 : i32
    %mul3A_2 = arith.muli %add3A, %mul3A_1 : i32
    "tpu.region"() ({
      %run_scoped3A = tpu.sem_alloc : memref<!tpu.dma_semaphore, #tpu.memory_space<semaphore_mem>>
      %dma_start3A_12 = tpu.memref_slice %arg3[%mul3A_2] : memref<131072xi32, #tpu.memory_space<hbm>> -> memref<4096xi32, #tpu.memory_space<hbm>>
      %dma_start3A_13 = tpu.memref_slice %arg3[%mul3A_2] : memref<131072xi32, #tpu.memory_space<hbm>> -> memref<4096xi32, #tpu.memory_space<hbm>>
      tpu.enqueue_dma source(%dma_start3A_13 : memref<4096xi32, #tpu.memory_space<hbm>>) target(%arg5 : memref<4096xi32, #tpu.memory_space<vmem>>) target_semaphore(%run_scoped3A : memref<!tpu.dma_semaphore, #tpu.memory_space<semaphore_mem>>)
      %dma_wait3A = tpu.memref_slice %arg3[%mul3A_2] : memref<131072xi32, #tpu.memory_space<hbm>> -> memref<4096xi32, #tpu.memory_space<hbm>>
      %dma_wait3A_14 = tpu.memref_slice %arg3[%mul3A_2] : memref<131072xi32, #tpu.memory_space<hbm>> -> memref<4096xi32, #tpu.memory_space<hbm>>
      tpu.wait_dma2 semaphore(%run_scoped3A : memref<!tpu.dma_semaphore, #tpu.memory_space<semaphore_mem>>) src(%dma_wait3A_14 : memref<4096xi32, #tpu.memory_space<hbm>>) dst(%arg5 : memref<4096xi32, #tpu.memory_space<vmem>>)
      tpu.yield
    }) : () -> ()
    %dma_start3A = arith.constant 0 : i32
    %dma_start3A_3 = tpu.memref_slice %arg5[%dma_start3A] : memref<4096xi32, #tpu.memory_space<vmem>> -> memref<128xi32, #tpu.memory_space<vmem>>
    %dma_start3A_4 = arith.constant 0 : i32
    %dma_start3A_5 = arith.constant 0 : i32
    %dma_start3A_6 = tpu.memref_slice %arg2[%dma_start3A_4, %dma_start3A_5] : memref<8192x144xf32, #tpu.memory_space<hbm>> -> memref<8192x144xf32, #tpu.memory_space<hbm>>
    tpu.enqueue_indirect_dma source(%dma_start3A_6 : memref<8192x144xf32, #tpu.memory_space<hbm>>) target(%arg6 : memref<128x144xf32, #tpu.memory_space<vmem>>) offsets(%dma_start3A_3 : memref<128xi32, #tpu.memory_space<vmem>>) semaphore(%arg8 : memref<!tpu.dma_semaphore, #tpu.memory_space<semaphore_mem>>)
    %scan3A = arith.constant 0 : i32
    %scan3A_7 = arith.constant 0 : i32
    %scan3A_8 = arith.constant 16 : i32
    %scan3A_9 = arith.addi %scan3A_7, %scan3A_8 : i32
    %scan3A_10 = arith.constant 1 : i32
    scf.for %scan3A_12 = %scan3A_7 to %scan3A_9 step %scan3A_10  : i32 {
      %mul3A_13 = arith.constant 2 : i32
      %mul3A_14 = arith.muli %scan3A_12, %mul3A_13 : i32
      %add3A_15 = arith.constant 1 : i32
      %add3A_16 = arith.addi %mul3A_14, %add3A_15 : i32
      %mul3A_17 = arith.constant 128 : i32
      %mul3A_18 = arith.muli %add3A_16, %mul3A_17 : i32
      %dma_start3A_19 = tpu.memref_slice %arg5[%mul3A_18] : memref<4096xi32, #tpu.memory_space<vmem>> -> memref<128xi32, #tpu.memory_space<vmem>>
      %dma_start3A_20 = arith.constant 0 : i32
      %dma_start3A_21 = arith.constant 0 : i32
      %dma_start3A_22 = tpu.memref_slice %arg2[%dma_start3A_20, %dma_start3A_21] : memref<8192x144xf32, #tpu.memory_space<hbm>> -> memref<8192x144xf32, #tpu.memory_space<hbm>>
      tpu.enqueue_indirect_dma source(%dma_start3A_22 : memref<8192x144xf32, #tpu.memory_space<hbm>>) target(%arg7 : memref<128x144xf32, #tpu.memory_space<vmem>>) offsets(%dma_start3A_19 : memref<128xi32, #tpu.memory_space<vmem>>) semaphore(%arg9 : memref<!tpu.dma_semaphore, #tpu.memory_space<semaphore_mem>>)
      %dma_wait3A = arith.constant 0 : i32
      %dma_wait3A_23 = tpu.memref_slice %arg5[%dma_wait3A] : memref<4096xi32, #tpu.memory_space<vmem>> -> memref<128xi32, #tpu.memory_space<vmem>>
      %dma_wait3A_24 = arith.constant 0 : i32
      %dma_wait3A_25 = arith.constant 0 : i32
      %dma_wait3A_26 = tpu.memref_slice %arg2[%dma_wait3A_24, %dma_wait3A_25] : memref<8192x144xf32, #tpu.memory_space<hbm>> -> memref<8192x144xf32, #tpu.memory_space<hbm>>
      tpu.wait_indirect_dma semaphore(%arg8 : memref<!tpu.dma_semaphore, #tpu.memory_space<semaphore_mem>>) src(%dma_wait3A_26 : memref<8192x144xf32, #tpu.memory_space<hbm>>) dst(%arg6 : memref<128x144xf32, #tpu.memory_space<vmem>>)
      %mul3A_27 = arith.constant 128 : i32
      %mul3A_28 = arith.muli %mul3A_14, %mul3A_27 : i32
      %add3A_29 = arith.addi %mul3A_2, %mul3A_28 : i32
      "tpu.region"() ({
        %run_scoped3A = tpu.sem_alloc : memref<!tpu.dma_semaphore, #tpu.memory_space<semaphore_mem>>
        %dma_start3A_44 = arith.constant 0 : i32
        %dma_start3A_45 = tpu.memref_slice %arg4[%add3A_29, %dma_start3A_44] : memref<131072x144xf32, #tpu.memory_space<hbm>> -> memref<128x144xf32, #tpu.memory_space<hbm>>
        %dma_start3A_46 = arith.constant 0 : i32
        %dma_start3A_47 = tpu.memref_slice %arg4[%add3A_29, %dma_start3A_46] : memref<131072x144xf32, #tpu.memory_space<hbm>> -> memref<128x144xf32, #tpu.memory_space<hbm>>
        tpu.enqueue_dma source(%arg6 : memref<128x144xf32, #tpu.memory_space<vmem>>) target(%dma_start3A_47 : memref<128x144xf32, #tpu.memory_space<hbm>>) target_semaphore(%run_scoped3A : memref<!tpu.dma_semaphore, #tpu.memory_space<semaphore_mem>>)
        %dma_wait3A_48 = arith.constant 0 : i32
        %dma_wait3A_49 = tpu.memref_slice %arg4[%add3A_29, %dma_wait3A_48] : memref<131072x144xf32, #tpu.memory_space<hbm>> -> memref<128x144xf32, #tpu.memory_space<hbm>>
        %dma_wait3A_50 = arith.constant 0 : i32
        %dma_wait3A_51 = tpu.memref_slice %arg4[%add3A_29, %dma_wait3A_50] : memref<131072x144xf32, #tpu.memory_space<hbm>> -> memref<128x144xf32, #tpu.memory_space<hbm>>
        tpu.wait_dma2 semaphore(%run_scoped3A : memref<!tpu.dma_semaphore, #tpu.memory_space<semaphore_mem>>) src(%arg6 : memref<128x144xf32, #tpu.memory_space<vmem>>) dst(%dma_wait3A_51 : memref<128x144xf32, #tpu.memory_space<hbm>>)
        tpu.yield
      }) : () -> ()
      %add3A_30 = arith.constant 2 : i32
      %add3A_31 = arith.addi %mul3A_14, %add3A_30 : i32
      %lt3A = arith.constant 32 : i32
      %lt3A_32 = arith.cmpi slt, %add3A_31, %lt3A : i32
      %convert_element_type3A = arith.extui %lt3A_32 : i1 to i32
      %cond3A = arith.constant 0 : i32
      %cond3A_33 = arith.cmpi ne, %convert_element_type3A, %cond3A : i32
      scf.if %cond3A_33 {
        %add3A_44 = arith.constant 2 : i32
        %add3A_45 = arith.addi %mul3A_14, %add3A_44 : i32
        %mul3A_46 = arith.constant 128 : i32
        %mul3A_47 = arith.muli %add3A_45, %mul3A_46 : i32
        %dma_start3A_48 = tpu.memref_slice %arg5[%mul3A_47] : memref<4096xi32, #tpu.memory_space<vmem>> -> memref<128xi32, #tpu.memory_space<vmem>>
        %dma_start3A_49 = arith.constant 0 : i32
        %dma_start3A_50 = arith.constant 0 : i32
        %dma_start3A_51 = tpu.memref_slice %arg2[%dma_start3A_49, %dma_start3A_50] : memref<8192x144xf32, #tpu.memory_space<hbm>> -> memref<8192x144xf32, #tpu.memory_space<hbm>>
        tpu.enqueue_indirect_dma source(%dma_start3A_51 : memref<8192x144xf32, #tpu.memory_space<hbm>>) target(%arg6 : memref<128x144xf32, #tpu.memory_space<vmem>>) offsets(%dma_start3A_48 : memref<128xi32, #tpu.memory_space<vmem>>) semaphore(%arg8 : memref<!tpu.dma_semaphore, #tpu.memory_space<semaphore_mem>>)
      } else {
      }
      %dma_wait3A_34 = arith.constant 0 : i32
      %dma_wait3A_35 = tpu.memref_slice %arg5[%dma_wait3A_34] : memref<4096xi32, #tpu.memory_space<vmem>> -> memref<128xi32, #tpu.memory_space<vmem>>
      %dma_wait3A_36 = arith.constant 0 : i32
      %dma_wait3A_37 = arith.constant 0 : i32
      %dma_wait3A_38 = tpu.memref_slice %arg2[%dma_wait3A_36, %dma_wait3A_37] : memref<8192x144xf32, #tpu.memory_space<hbm>> -> memref<8192x144xf32, #tpu.memory_space<hbm>>
      tpu.wait_indirect_dma semaphore(%arg9 : memref<!tpu.dma_semaphore, #tpu.memory_space<semaphore_mem>>) src(%dma_wait3A_38 : memref<8192x144xf32, #tpu.memory_space<hbm>>) dst(%arg7 : memref<128x144xf32, #tpu.memory_space<vmem>>)
      %add3A_39 = arith.constant 1 : i32
      %add3A_40 = arith.addi %mul3A_14, %add3A_39 : i32
      %mul3A_41 = arith.constant 128 : i32
      %mul3A_42 = arith.muli %add3A_40, %mul3A_41 : i32
      %add3A_43 = arith.addi %mul3A_2, %mul3A_42 : i32
      "tpu.region"() ({
        %run_scoped3A = tpu.sem_alloc : memref<!tpu.dma_semaphore, #tpu.memory_space<semaphore_mem>>
        %dma_start3A_44 = arith.constant 0 : i32
        %dma_start3A_45 = tpu.memref_slice %arg4[%add3A_43, %dma_start3A_44] : memref<131072x144xf32, #tpu.memory_space<hbm>> -> memref<128x144xf32, #tpu.memory_space<hbm>>
        %dma_start3A_46 = arith.constant 0 : i32
        %dma_start3A_47 = tpu.memref_slice %arg4[%add3A_43, %dma_start3A_46] : memref<131072x144xf32, #tpu.memory_space<hbm>> -> memref<128x144xf32, #tpu.memory_space<hbm>>
        tpu.enqueue_dma source(%arg7 : memref<128x144xf32, #tpu.memory_space<vmem>>) target(%dma_start3A_47 : memref<128x144xf32, #tpu.memory_space<hbm>>) target_semaphore(%run_scoped3A : memref<!tpu.dma_semaphore, #tpu.memory_space<semaphore_mem>>)
        %dma_wait3A_48 = arith.constant 0 : i32
        %dma_wait3A_49 = tpu.memref_slice %arg4[%add3A_43, %dma_wait3A_48] : memref<131072x144xf32, #tpu.memory_space<hbm>> -> memref<128x144xf32, #tpu.memory_space<hbm>>
        %dma_wait3A_50 = arith.constant 0 : i32
        %dma_wait3A_51 = tpu.memref_slice %arg4[%add3A_43, %dma_wait3A_50] : memref<131072x144xf32, #tpu.memory_space<hbm>> -> memref<128x144xf32, #tpu.memory_space<hbm>>
        tpu.wait_dma2 semaphore(%run_scoped3A : memref<!tpu.dma_semaphore, #tpu.memory_space<semaphore_mem>>) src(%arg7 : memref<128x144xf32, #tpu.memory_space<vmem>>) dst(%dma_wait3A_51 : memref<128x144xf32, #tpu.memory_space<hbm>>)
        tpu.yield
      }) : () -> ()
    }
    %scan3A_11 = arith.constant 16 : i32
    return
  }
}

module attributes {stable_mosaic.version = 14 : i64} {
  func.func @_fps_body(%arg0: memref<16x4096xf32, #tpu.memory_space<vmem>>, %arg1: memref<16x4096xf32, #tpu.memory_space<vmem>>, %arg2: memref<16x4096xf32, #tpu.memory_space<vmem>>, %arg3: memref<16x512xf32, #tpu.memory_space<vmem>>, %arg4: memref<16x512xf32, #tpu.memory_space<vmem>>, %arg5: memref<16x512xf32, #tpu.memory_space<vmem>>) attributes {dimension_semantics = [], scalar_prefetch = 0 : i64, scratch_operands = 0 : i64, tpu.core_type = #tpu.core_type<tc>} {
    %get3A = arith.constant 0 : index
    %get3A_0 = arith.constant 0 : index
    %get3A_1 = vector.load %arg0[%get3A, %get3A_0] : memref<16x4096xf32, #tpu.memory_space<vmem>>, vector<16x4096xf32>
    %get3A_2 = arith.constant 0 : index
    %get3A_3 = arith.constant 0 : index
    %get3A_4 = vector.load %arg1[%get3A_2, %get3A_3] : memref<16x4096xf32, #tpu.memory_space<vmem>>, vector<16x4096xf32>
    %get3A_5 = arith.constant 0 : index
    %get3A_6 = arith.constant 0 : index
    %get3A_7 = vector.load %arg2[%get3A_5, %get3A_6] : memref<16x4096xf32, #tpu.memory_space<vmem>>, vector<16x4096xf32>
    %iota3A = tpu.iota {dimensions = array<i32: 1>} : vector<16x4096xi32>
    %iota3A_8 = tpu.iota {dimensions = array<i32: 1>} : vector<16x512xi32>
    %broadcast_in_dim3A = arith.constant 1.000000e+10 : f32
    %broadcast_in_dim3A_9 = vector.broadcast %broadcast_in_dim3A : f32 to vector<16x4096xf32>
    %broadcast_in_dim3A_10 = arith.constant 0 : i32
    %broadcast_in_dim3A_11 = vector.broadcast %broadcast_in_dim3A_10 : i32 to vector<16x1xi32>
    %broadcast_in_dim3A_12 = arith.constant 0.000000e+00 : f32
    %broadcast_in_dim3A_13 = vector.broadcast %broadcast_in_dim3A_12 : f32 to vector<16x512xf32>
    %broadcast_in_dim3A_14 = arith.constant 0.000000e+00 : f32
    %broadcast_in_dim3A_15 = vector.broadcast %broadcast_in_dim3A_14 : f32 to vector<16x512xf32>
    %broadcast_in_dim3A_16 = arith.constant 0.000000e+00 : f32
    %broadcast_in_dim3A_17 = vector.broadcast %broadcast_in_dim3A_16 : f32 to vector<16x512xf32>
    %scan3A = arith.constant 0 : i32
    %scan3A_18 = arith.constant 512 : i32
    %scan3A_19 = arith.addi %scan3A, %scan3A_18 : i32
    %scan3A_20 = arith.constant 1 : i32
    %scan3A_21:5 = scf.for %scan3A_31 = %scan3A to %scan3A_19 step %scan3A_20 iter_args(%scan3A_32 = %broadcast_in_dim3A_9, %scan3A_33 = %broadcast_in_dim3A_11, %scan3A_34 = %broadcast_in_dim3A_13, %scan3A_35 = %broadcast_in_dim3A_15, %scan3A_36 = %broadcast_in_dim3A_17) -> (vector<16x4096xf32>, vector<16x1xi32>, vector<16x512xf32>, vector<16x512xf32>, vector<16x512xf32>)  : i32 {
      %eq3A = vector.broadcast %scan3A_33 : vector<16x1xi32> to vector<16x4096xi32>
      %eq3A_37 = arith.cmpi eq, %iota3A, %eq3A : vector<16x4096xi32>
      %jit3A = arith.constant 0.000000e+00 : f32
      %broadcast_in_dim3A_38 = vector.broadcast %jit3A : f32 to vector<16x4096xf32>
      %select_n3A = arith.select %eq3A_37, %get3A_1, %broadcast_in_dim3A_38 : vector<16x4096xi1>, vector<16x4096xf32>
      %reduce_sum3A = arith.constant dense<0.000000e+00> : vector<16xf32>
      %reduce_sum3A_39 = vector.multi_reduction <add>, %select_n3A, %reduce_sum3A [1] : vector<16x4096xf32> to vector<16xf32>
      %broadcast_in_dim3A_40 = vector.shape_cast %reduce_sum3A_39 : vector<16xf32> to vector<16x1xf32>
      %jit3A_41 = arith.constant 0.000000e+00 : f32
      %broadcast_in_dim3A_42 = vector.broadcast %jit3A_41 : f32 to vector<16x4096xf32>
      %select_n3A_43 = arith.select %eq3A_37, %get3A_4, %broadcast_in_dim3A_42 : vector<16x4096xi1>, vector<16x4096xf32>
      %reduce_sum3A_44 = arith.constant dense<0.000000e+00> : vector<16xf32>
      %reduce_sum3A_45 = vector.multi_reduction <add>, %select_n3A_43, %reduce_sum3A_44 [1] : vector<16x4096xf32> to vector<16xf32>
      %broadcast_in_dim3A_46 = vector.shape_cast %reduce_sum3A_45 : vector<16xf32> to vector<16x1xf32>
      %jit3A_47 = arith.constant 0.000000e+00 : f32
      %broadcast_in_dim3A_48 = vector.broadcast %jit3A_47 : f32 to vector<16x4096xf32>
      %select_n3A_49 = arith.select %eq3A_37, %get3A_7, %broadcast_in_dim3A_48 : vector<16x4096xi1>, vector<16x4096xf32>
      %reduce_sum3A_50 = arith.constant dense<0.000000e+00> : vector<16xf32>
      %reduce_sum3A_51 = vector.multi_reduction <add>, %select_n3A_49, %reduce_sum3A_50 [1] : vector<16x4096xf32> to vector<16xf32>
      %broadcast_in_dim3A_52 = vector.shape_cast %reduce_sum3A_51 : vector<16xf32> to vector<16x1xf32>
      %eq3A_53 = vector.broadcast %scan3A_31 : i32 to vector<16x512xi32>
      %eq3A_54 = arith.cmpi eq, %iota3A_8, %eq3A_53 : vector<16x512xi32>
      %broadcast_in_dim3A_55 = vector.shape_cast %broadcast_in_dim3A_40 : vector<16x1xf32> to vector<16x1xf32>
      %broadcast_in_dim3A_56 = vector.broadcast %broadcast_in_dim3A_55 : vector<16x1xf32> to vector<16x512xf32>
      %select_n3A_57 = arith.select %eq3A_54, %broadcast_in_dim3A_56, %scan3A_34 : vector<16x512xi1>, vector<16x512xf32>
      %broadcast_in_dim3A_58 = vector.shape_cast %broadcast_in_dim3A_46 : vector<16x1xf32> to vector<16x1xf32>
      %broadcast_in_dim3A_59 = vector.broadcast %broadcast_in_dim3A_58 : vector<16x1xf32> to vector<16x512xf32>
      %select_n3A_60 = arith.select %eq3A_54, %broadcast_in_dim3A_59, %scan3A_35 : vector<16x512xi1>, vector<16x512xf32>
      %broadcast_in_dim3A_61 = vector.shape_cast %broadcast_in_dim3A_52 : vector<16x1xf32> to vector<16x1xf32>
      %broadcast_in_dim3A_62 = vector.broadcast %broadcast_in_dim3A_61 : vector<16x1xf32> to vector<16x512xf32>
      %select_n3A_63 = arith.select %eq3A_54, %broadcast_in_dim3A_62, %scan3A_36 : vector<16x512xi1>, vector<16x512xf32>
      %sub3A = vector.broadcast %broadcast_in_dim3A_40 : vector<16x1xf32> to vector<16x4096xf32>
      %sub3A_64 = arith.subf %get3A_1, %sub3A : vector<16x4096xf32>
      %sub3A_65 = vector.broadcast %broadcast_in_dim3A_46 : vector<16x1xf32> to vector<16x4096xf32>
      %sub3A_66 = arith.subf %get3A_4, %sub3A_65 : vector<16x4096xf32>
      %sub3A_67 = vector.broadcast %broadcast_in_dim3A_52 : vector<16x1xf32> to vector<16x4096xf32>
      %sub3A_68 = arith.subf %get3A_7, %sub3A_67 : vector<16x4096xf32>
      %mul3A = arith.mulf %sub3A_64, %sub3A_64 : vector<16x4096xf32>
      %mul3A_69 = arith.mulf %sub3A_66, %sub3A_66 : vector<16x4096xf32>
      %add3A = arith.addf %mul3A, %mul3A_69 : vector<16x4096xf32>
      %mul3A_70 = arith.mulf %sub3A_68, %sub3A_68 : vector<16x4096xf32>
      %add3A_71 = arith.addf %add3A, %mul3A_70 : vector<16x4096xf32>
      %min3A = arith.minimumf %scan3A_32, %add3A_71 : vector<16x4096xf32>
      %reduce_max3A = arith.constant dense<0xFF800000> : vector<16xf32>
      %reduce_max3A_72 = vector.multi_reduction <maximumf>, %min3A, %reduce_max3A [1] : vector<16x4096xf32> to vector<16xf32>
      %broadcast_in_dim3A_73 = vector.shape_cast %reduce_max3A_72 : vector<16xf32> to vector<16x1xf32>
      %eq3A_74 = vector.broadcast %broadcast_in_dim3A_73 : vector<16x1xf32> to vector<16x4096xf32>
      %eq3A_75 = arith.cmpf oeq, %min3A, %eq3A_74 : vector<16x4096xf32>
      %jit3A_76 = arith.constant 4096 : i32
      %broadcast_in_dim3A_77 = vector.broadcast %jit3A_76 : i32 to vector<16x4096xi32>
      %select_n3A_78 = arith.select %eq3A_75, %iota3A, %broadcast_in_dim3A_77 : vector<16x4096xi1>, vector<16x4096xi32>
      %reduce_min3A = arith.constant dense<2147483647> : vector<16xi32>
      %reduce_min3A_79 = vector.multi_reduction <minsi>, %select_n3A_78, %reduce_min3A [1] : vector<16x4096xi32> to vector<16xi32>
      %broadcast_in_dim3A_80 = vector.shape_cast %reduce_min3A_79 : vector<16xi32> to vector<16x1xi32>
      scf.yield %min3A, %broadcast_in_dim3A_80, %select_n3A_57, %select_n3A_60, %select_n3A_63 : vector<16x4096xf32>, vector<16x1xi32>, vector<16x512xf32>, vector<16x512xf32>, vector<16x512xf32>
    }
    %scan3A_22 = arith.constant 512 : i32
    %swap3A = arith.constant 0 : index
    %swap3A_23 = arith.constant 0 : index
    %swap3A_24 = vector.load %arg3[%swap3A, %swap3A_23] : memref<16x512xf32, #tpu.memory_space<vmem>>, vector<16x512xf32>
    tpu.vector_store %arg3[%swap3A, %swap3A_23], %scan3A_21#2 {strides = array<i32>} : memref<16x512xf32, #tpu.memory_space<vmem>>, vector<16x512xf32>,
    %swap3A_25 = arith.constant 0 : index
    %swap3A_26 = arith.constant 0 : index
    %swap3A_27 = vector.load %arg4[%swap3A_25, %swap3A_26] : memref<16x512xf32, #tpu.memory_space<vmem>>, vector<16x512xf32>
    tpu.vector_store %arg4[%swap3A_25, %swap3A_26], %scan3A_21#3 {strides = array<i32>} : memref<16x512xf32, #tpu.memory_space<vmem>>, vector<16x512xf32>,
    %swap3A_28 = arith.constant 0 : index
    %swap3A_29 = arith.constant 0 : index
    %swap3A_30 = vector.load %arg5[%swap3A_28, %swap3A_29] : memref<16x512xf32, #tpu.memory_space<vmem>>, vector<16x512xf32>
    tpu.vector_store %arg5[%swap3A_28, %swap3A_29], %scan3A_21#4 {strides = array<i32>} : memref<16x512xf32, #tpu.memory_space<vmem>>, vector<16x512xf32>,
    return
  }
}

module attributes {stable_mosaic.version = 14 : i64} {
  func.func @_bq_body(%arg0: i32, %arg1: memref<1x512x1xf32, #tpu.memory_space<vmem>>, %arg2: memref<1x512x1xf32, #tpu.memory_space<vmem>>, %arg3: memref<1x512x1xf32, #tpu.memory_space<vmem>>, %arg4: memref<1x1x4096xf32, #tpu.memory_space<vmem>>, %arg5: memref<1x1x4096xf32, #tpu.memory_space<vmem>>, %arg6: memref<1x1x4096xf32, #tpu.memory_space<vmem>>, %arg7: memref<1x512x32xi32, #tpu.memory_space<vmem>>) attributes {dimension_semantics = [#tpu.dimension_semantics<arbitrary>], iteration_bounds = array<i64: 16>, scalar_prefetch = 0 : i64, scratch_operands = 0 : i64, tpu.core_type = #tpu.core_type<tc>, window_params = [{transform_indices = @transform_0, window_bounds = array<i64: 1, 512, 1>}, {transform_indices = @transform_1, window_bounds = array<i64: 1, 512, 1>}, {transform_indices = @transform_2, window_bounds = array<i64: 1, 512, 1>}, {transform_indices = @transform_3, window_bounds = array<i64: 1, 1, 4096>}, {transform_indices = @transform_4, window_bounds = array<i64: 1, 1, 4096>}, {transform_indices = @transform_5, window_bounds = array<i64: 1, 1, 4096>}, {transform_indices = @transform_6, window_bounds = array<i64: 1, 512, 32>}]} {
    %get3A = arith.constant 0 : index
    %get3A_0 = arith.constant 0 : index
    %get3A_1 = arith.constant 0 : index
    %get3A_2 = vector.load %arg1[%get3A, %get3A_0, %get3A_1] : memref<1x512x1xf32, #tpu.memory_space<vmem>>, vector<1x512x1xf32>
    %get3A_3 = vector.shape_cast %get3A_2 : vector<1x512x1xf32> to vector<512x1xf32>
    %get3A_4 = arith.constant 0 : index
    %get3A_5 = arith.constant 0 : index
    %get3A_6 = arith.constant 0 : index
    %get3A_7 = vector.load %arg2[%get3A_4, %get3A_5, %get3A_6] : memref<1x512x1xf32, #tpu.memory_space<vmem>>, vector<1x512x1xf32>
    %get3A_8 = vector.shape_cast %get3A_7 : vector<1x512x1xf32> to vector<512x1xf32>
    %get3A_9 = arith.constant 0 : index
    %get3A_10 = arith.constant 0 : index
    %get3A_11 = arith.constant 0 : index
    %get3A_12 = vector.load %arg3[%get3A_9, %get3A_10, %get3A_11] : memref<1x512x1xf32, #tpu.memory_space<vmem>>, vector<1x512x1xf32>
    %get3A_13 = vector.shape_cast %get3A_12 : vector<1x512x1xf32> to vector<512x1xf32>
    %get3A_14 = arith.constant 0 : index
    %get3A_15 = arith.constant 0 : index
    %get3A_16 = arith.constant 0 : index
    %get3A_17 = vector.load %arg4[%get3A_14, %get3A_15, %get3A_16] : memref<1x1x4096xf32, #tpu.memory_space<vmem>>, vector<1x1x4096xf32>
    %get3A_18 = vector.shape_cast %get3A_17 : vector<1x1x4096xf32> to vector<1x4096xf32>
    %get3A_19 = arith.constant 0 : index
    %get3A_20 = arith.constant 0 : index
    %get3A_21 = arith.constant 0 : index
    %get3A_22 = vector.load %arg5[%get3A_19, %get3A_20, %get3A_21] : memref<1x1x4096xf32, #tpu.memory_space<vmem>>, vector<1x1x4096xf32>
    %get3A_23 = vector.shape_cast %get3A_22 : vector<1x1x4096xf32> to vector<1x4096xf32>
    %get3A_24 = arith.constant 0 : index
    %get3A_25 = arith.constant 0 : index
    %get3A_26 = arith.constant 0 : index
    %get3A_27 = vector.load %arg6[%get3A_24, %get3A_25, %get3A_26] : memref<1x1x4096xf32, #tpu.memory_space<vmem>>, vector<1x1x4096xf32>
    %get3A_28 = vector.shape_cast %get3A_27 : vector<1x1x4096xf32> to vector<1x4096xf32>
    %convert_element_type3A = arith.truncf %get3A_3 : vector<512x1xf32> to vector<512x1xbf16>
    %convert_element_type3A_29 = arith.extf %convert_element_type3A : vector<512x1xbf16> to vector<512x1xf32>
    %convert_element_type3A_30 = arith.truncf %get3A_8 : vector<512x1xf32> to vector<512x1xbf16>
    %convert_element_type3A_31 = arith.extf %convert_element_type3A_30 : vector<512x1xbf16> to vector<512x1xf32>
    %convert_element_type3A_32 = arith.truncf %get3A_13 : vector<512x1xf32> to vector<512x1xbf16>
    %convert_element_type3A_33 = arith.extf %convert_element_type3A_32 : vector<512x1xbf16> to vector<512x1xf32>
    %convert_element_type3A_34 = arith.truncf %get3A_18 : vector<1x4096xf32> to vector<1x4096xbf16>
    %convert_element_type3A_35 = arith.extf %convert_element_type3A_34 : vector<1x4096xbf16> to vector<1x4096xf32>
    %convert_element_type3A_36 = arith.truncf %get3A_23 : vector<1x4096xf32> to vector<1x4096xbf16>
    %convert_element_type3A_37 = arith.extf %convert_element_type3A_36 : vector<1x4096xbf16> to vector<1x4096xf32>
    %convert_element_type3A_38 = arith.truncf %get3A_28 : vector<1x4096xf32> to vector<1x4096xbf16>
    %convert_element_type3A_39 = arith.extf %convert_element_type3A_38 : vector<1x4096xbf16> to vector<1x4096xf32>
    %mul3A = vector.broadcast %convert_element_type3A_29 : vector<512x1xf32> to vector<512x4096xf32>
    %mul3A_40 = vector.broadcast %convert_element_type3A_35 : vector<1x4096xf32> to vector<512x4096xf32>
    %mul3A_41 = arith.mulf %mul3A, %mul3A_40 : vector<512x4096xf32>
    %mul3A_42 = vector.broadcast %convert_element_type3A_33 : vector<512x1xf32> to vector<512x4096xf32>
    %mul3A_43 = vector.broadcast %convert_element_type3A_39 : vector<1x4096xf32> to vector<512x4096xf32>
    %mul3A_44 = arith.mulf %mul3A_42, %mul3A_43 : vector<512x4096xf32>
    %add3A = arith.addf %mul3A_41, %mul3A_44 : vector<512x4096xf32>
    %mul3A_45 = vector.broadcast %convert_element_type3A_31 : vector<512x1xf32> to vector<512x4096xf32>
    %mul3A_46 = vector.broadcast %convert_element_type3A_37 : vector<1x4096xf32> to vector<512x4096xf32>
    %mul3A_47 = arith.mulf %mul3A_45, %mul3A_46 : vector<512x4096xf32>
    %add3A_48 = arith.addf %add3A, %mul3A_47 : vector<512x4096xf32>
    %mul3A_49 = arith.mulf %get3A_3, %get3A_3 : vector<512x1xf32>
    %mul3A_50 = arith.mulf %get3A_13, %get3A_13 : vector<512x1xf32>
    %add3A_51 = arith.addf %mul3A_49, %mul3A_50 : vector<512x1xf32>
    %mul3A_52 = arith.mulf %get3A_8, %get3A_8 : vector<512x1xf32>
    %add3A_53 = arith.addf %add3A_51, %mul3A_52 : vector<512x1xf32>
    %mul3A_54 = arith.mulf %get3A_18, %get3A_18 : vector<1x4096xf32>
    %mul3A_55 = arith.mulf %get3A_28, %get3A_28 : vector<1x4096xf32>
    %add3A_56 = arith.addf %mul3A_54, %mul3A_55 : vector<1x4096xf32>
    %mul3A_57 = arith.mulf %get3A_23, %get3A_23 : vector<1x4096xf32>
    %add3A_58 = arith.addf %add3A_56, %mul3A_57 : vector<1x4096xf32>
    %mul3A_59 = arith.constant -2.000000e+00 : f32
    %mul3A_60 = vector.broadcast %mul3A_59 : f32 to vector<512x4096xf32>
    %mul3A_61 = arith.mulf %mul3A_60, %add3A_48 : vector<512x4096xf32>
    %add3A_62 = vector.broadcast %add3A_53 : vector<512x1xf32> to vector<512x4096xf32>
    %add3A_63 = arith.addf %mul3A_61, %add3A_62 : vector<512x4096xf32>
    %add3A_64 = vector.broadcast %add3A_58 : vector<1x4096xf32> to vector<512x4096xf32>
    %add3A_65 = arith.addf %add3A_63, %add3A_64 : vector<512x4096xf32>
    %iota3A = tpu.iota {dimensions = array<i32: 1>} : vector<512x4096xi32>
    %gt3A = arith.constant 4.000000e-02 : f32
    %gt3A_66 = vector.broadcast %gt3A : f32 to vector<512x4096xf32>
    %gt3A_67 = arith.cmpf ogt, %add3A_65, %gt3A_66 : vector<512x4096xf32>
    %not3A = arith.constant dense<true> : vector<512x4096xi1>
    %not3A_68 = arith.xori %gt3A_67, %not3A : vector<512x4096xi1>
    %jit3A = arith.constant 4096 : i32
    %broadcast_in_dim3A = vector.broadcast %jit3A : i32 to vector<512x4096xi32>
    %select_n3A = arith.select %not3A_68, %iota3A, %broadcast_in_dim3A : vector<512x4096xi1>, vector<512x4096xi32>
    %iota3A_69 = tpu.iota {dimensions = array<i32: 1>} : vector<512x32xi32>
    %reduce_min3A = arith.constant dense<2147483647> : vector<512xi32>
    %reduce_min3A_70 = vector.multi_reduction <minsi>, %select_n3A, %reduce_min3A [1] : vector<512x4096xi32> to vector<512xi32>
    %broadcast_in_dim3A_71 = vector.shape_cast %reduce_min3A_70 : vector<512xi32> to vector<512x1xi32>
    %broadcast_in_dim3A_72 = vector.shape_cast %broadcast_in_dim3A_71 : vector<512x1xi32> to vector<512x1xi32>
    %broadcast_in_dim3A_73 = vector.broadcast %broadcast_in_dim3A_72 : vector<512x1xi32> to vector<512x32xi32>
    %while3A = arith.constant 1 : i32
    %while3A_74:3 = scf.while (%while3A_86 = %while3A, %while3A_87 = %broadcast_in_dim3A_71, %while3A_88 = %broadcast_in_dim3A_73) : (i32, vector<512x1xi32>, vector<512x32xi32>) -> (i32, vector<512x1xi32>, vector<512x32xi32>) {
      %lt3A = arith.constant 32 : i32
      %lt3A_89 = arith.cmpi slt, %while3A_86, %lt3A : i32
      %reduce_min3A_90 = vector.shape_cast %while3A_87 : vector<512x1xi32> to vector<1x512x1xi32>
      %reduce_min3A_91 = arith.constant dense<2147483647> : vector<1xi32>
      %reduce_min3A_92 = vector.multi_reduction <minsi>, %reduce_min3A_90, %reduce_min3A_91 [1, 2] : vector<1x512x1xi32> to vector<1xi32>
      %reduce_min3A_93 = vector.shape_cast %reduce_min3A_92 : vector<1xi32> to vector<1x1x1xi32>
      %reduce_min3A_94 = vector.extract %reduce_min3A_93[0, 0, 0] : i32 from vector<1x1x1xi32>
      %lt3A_95 = arith.constant 4096 : i32
      %lt3A_96 = arith.cmpi slt, %reduce_min3A_94, %lt3A_95 : i32
      %and3A = arith.andi %lt3A_89, %lt3A_96 : i1
      scf.condition(%and3A) %while3A_86, %while3A_87, %while3A_88 : i32, vector<512x1xi32>, vector<512x32xi32>
    } do {
    ^bb0(%while3A_86: i32, %while3A_87: vector<512x1xi32>, %while3A_88: vector<512x32xi32>):
      %gt3A_89 = vector.broadcast %while3A_87 : vector<512x1xi32> to vector<512x4096xi32>
      %gt3A_90 = arith.cmpi sgt, %select_n3A, %gt3A_89 : vector<512x4096xi32>
      %jit3A_91 = arith.constant 4096 : i32
      %broadcast_in_dim3A_92 = vector.broadcast %jit3A_91 : i32 to vector<512x4096xi32>
      %select_n3A_93 = arith.select %gt3A_90, %select_n3A, %broadcast_in_dim3A_92 : vector<512x4096xi1>, vector<512x4096xi32>
      %reduce_min3A_94 = arith.constant dense<2147483647> : vector<512xi32>
      %reduce_min3A_95 = vector.multi_reduction <minsi>, %select_n3A_93, %reduce_min3A_94 [1] : vector<512x4096xi32> to vector<512xi32>
      %broadcast_in_dim3A_96 = vector.shape_cast %reduce_min3A_95 : vector<512xi32> to vector<512x1xi32>
      %eq3A = arith.constant 4096 : i32
      %eq3A_97 = vector.broadcast %eq3A : i32 to vector<512x1xi32>
      %eq3A_98 = arith.cmpi eq, %broadcast_in_dim3A_96, %eq3A_97 : vector<512x1xi32>
      %select_n3A_99 = arith.select %eq3A_98, %broadcast_in_dim3A_71, %broadcast_in_dim3A_96 : vector<512x1xi1>, vector<512x1xi32>
      %eq3A_100 = vector.broadcast %while3A_86 : i32 to vector<512x32xi32>
      %eq3A_101 = arith.cmpi eq, %iota3A_69, %eq3A_100 : vector<512x32xi32>
      %broadcast_in_dim3A_102 = vector.shape_cast %select_n3A_99 : vector<512x1xi32> to vector<512x1xi32>
      %broadcast_in_dim3A_103 = vector.broadcast %broadcast_in_dim3A_102 : vector<512x1xi32> to vector<512x32xi32>
      %select_n3A_104 = arith.select %eq3A_101, %broadcast_in_dim3A_103, %while3A_88 : vector<512x32xi1>, vector<512x32xi32>
      %add3A_105 = arith.constant 1 : i32
      %add3A_106 = arith.addi %while3A_86, %add3A_105 : i32
      scf.yield %add3A_106, %broadcast_in_dim3A_96, %select_n3A_104 : i32, vector<512x1xi32>, vector<512x32xi32>
    }
    %min3A = arith.constant 4095 : i32
    %min3A_75 = vector.broadcast %min3A : i32 to vector<512x32xi32>
    %min3A_76 = arith.minsi %while3A_74#2, %min3A_75 : vector<512x32xi32>
    %mul3A_77 = arith.constant 4096 : i32
    %mul3A_78 = arith.muli %arg0, %mul3A_77 : i32
    %add3A_79 = vector.broadcast %mul3A_78 : i32 to vector<512x32xi32>
    %add3A_80 = arith.addi %min3A_76, %add3A_79 : vector<512x32xi32>
    %swap3A = arith.constant 0 : index
    %swap3A_81 = arith.constant 0 : index
    %swap3A_82 = arith.constant 0 : index
    %swap3A_83 = vector.load %arg7[%swap3A, %swap3A_81, %swap3A_82] : memref<1x512x32xi32, #tpu.memory_space<vmem>>, vector<1x512x32xi32>
    %swap3A_84 = vector.shape_cast %swap3A_83 : vector<1x512x32xi32> to vector<512x32xi32>
    %swap3A_85 = vector.shape_cast %add3A_80 : vector<512x32xi32> to vector<1x512x32xi32>
    tpu.vector_store %arg7[%swap3A, %swap3A_81, %swap3A_82], %swap3A_85 {strides = array<i32>} : memref<1x512x32xi32, #tpu.memory_space<vmem>>, vector<1x512x32xi32>,
    return
  }
  func.func @transform_0(%arg0: i32) -> (i32, i32, i32) {
    %c0_i32 = arith.constant 0 : i32
    %c0_i32_0 = arith.constant 0 : i32
    %c0_i32_1 = arith.constant 0 : i32
    return %arg0, %c0_i32, %c0_i32_0 : i32, i32, i32
  }
  func.func @transform_1(%arg0: i32) -> (i32, i32, i32) {
    %c0_i32 = arith.constant 0 : i32
    %c0_i32_0 = arith.constant 0 : i32
    %c0_i32_1 = arith.constant 0 : i32
    return %arg0, %c0_i32, %c0_i32_0 : i32, i32, i32
  }
  func.func @transform_2(%arg0: i32) -> (i32, i32, i32) {
    %c0_i32 = arith.constant 0 : i32
    %c0_i32_0 = arith.constant 0 : i32
    %c0_i32_1 = arith.constant 0 : i32
    return %arg0, %c0_i32, %c0_i32_0 : i32, i32, i32
  }
  func.func @transform_3(%arg0: i32) -> (i32, i32, i32) {
    %c0_i32 = arith.constant 0 : i32
    %c0_i32_0 = arith.constant 0 : i32
    %c0_i32_1 = arith.constant 0 : i32
    return %arg0, %c0_i32, %c0_i32_0 : i32, i32, i32
  }
  func.func @transform_4(%arg0: i32) -> (i32, i32, i32) {
    %c0_i32 = arith.constant 0 : i32
    %c0_i32_0 = arith.constant 0 : i32
    %c0_i32_1 = arith.constant 0 : i32
    return %arg0, %c0_i32, %c0_i32_0 : i32, i32, i32
  }
  func.func @transform_5(%arg0: i32) -> (i32, i32, i32) {
    %c0_i32 = arith.constant 0 : i32
    %c0_i32_0 = arith.constant 0 : i32
    %c0_i32_1 = arith.constant 0 : i32
    return %arg0, %c0_i32, %c0_i32_0 : i32, i32, i32
  }
  func.func @transform_6(%arg0: i32) -> (i32, i32, i32) {
    %c0_i32 = arith.constant 0 : i32
    %c0_i32_0 = arith.constant 0 : i32
    %c0_i32_1 = arith.constant 0 : i32
    return %arg0, %c0_i32, %c0_i32_0 : i32, i32, i32
  }
}

module attributes {stable_mosaic.version = 14 : i64} {
  func.func @_fps_body(%arg0: memref<16x512xf32, #tpu.memory_space<vmem>>, %arg1: memref<16x512xf32, #tpu.memory_space<vmem>>, %arg2: memref<16x512xf32, #tpu.memory_space<vmem>>, %arg3: memref<16x128xf32, #tpu.memory_space<vmem>>, %arg4: memref<16x128xf32, #tpu.memory_space<vmem>>, %arg5: memref<16x128xf32, #tpu.memory_space<vmem>>) attributes {dimension_semantics = [], scalar_prefetch = 0 : i64, scratch_operands = 0 : i64, tpu.core_type = #tpu.core_type<tc>} {
    %get3A = arith.constant 0 : index
    %get3A_0 = arith.constant 0 : index
    %get3A_1 = vector.load %arg0[%get3A, %get3A_0] : memref<16x512xf32, #tpu.memory_space<vmem>>, vector<16x512xf32>
    %get3A_2 = arith.constant 0 : index
    %get3A_3 = arith.constant 0 : index
    %get3A_4 = vector.load %arg1[%get3A_2, %get3A_3] : memref<16x512xf32, #tpu.memory_space<vmem>>, vector<16x512xf32>
    %get3A_5 = arith.constant 0 : index
    %get3A_6 = arith.constant 0 : index
    %get3A_7 = vector.load %arg2[%get3A_5, %get3A_6] : memref<16x512xf32, #tpu.memory_space<vmem>>, vector<16x512xf32>
    %iota3A = tpu.iota {dimensions = array<i32: 1>} : vector<16x512xi32>
    %iota3A_8 = tpu.iota {dimensions = array<i32: 1>} : vector<16x128xi32>
    %broadcast_in_dim3A = arith.constant 1.000000e+10 : f32
    %broadcast_in_dim3A_9 = vector.broadcast %broadcast_in_dim3A : f32 to vector<16x512xf32>
    %broadcast_in_dim3A_10 = arith.constant 0 : i32
    %broadcast_in_dim3A_11 = vector.broadcast %broadcast_in_dim3A_10 : i32 to vector<16x1xi32>
    %broadcast_in_dim3A_12 = arith.constant 0.000000e+00 : f32
    %broadcast_in_dim3A_13 = vector.broadcast %broadcast_in_dim3A_12 : f32 to vector<16x128xf32>
    %broadcast_in_dim3A_14 = arith.constant 0.000000e+00 : f32
    %broadcast_in_dim3A_15 = vector.broadcast %broadcast_in_dim3A_14 : f32 to vector<16x128xf32>
    %broadcast_in_dim3A_16 = arith.constant 0.000000e+00 : f32
    %broadcast_in_dim3A_17 = vector.broadcast %broadcast_in_dim3A_16 : f32 to vector<16x128xf32>
    %scan3A = arith.constant 0 : i32
    %scan3A_18 = arith.constant 128 : i32
    %scan3A_19 = arith.addi %scan3A, %scan3A_18 : i32
    %scan3A_20 = arith.constant 1 : i32
    %scan3A_21:5 = scf.for %scan3A_31 = %scan3A to %scan3A_19 step %scan3A_20 iter_args(%scan3A_32 = %broadcast_in_dim3A_9, %scan3A_33 = %broadcast_in_dim3A_11, %scan3A_34 = %broadcast_in_dim3A_13, %scan3A_35 = %broadcast_in_dim3A_15, %scan3A_36 = %broadcast_in_dim3A_17) -> (vector<16x512xf32>, vector<16x1xi32>, vector<16x128xf32>, vector<16x128xf32>, vector<16x128xf32>)  : i32 {
      %eq3A = vector.broadcast %scan3A_33 : vector<16x1xi32> to vector<16x512xi32>
      %eq3A_37 = arith.cmpi eq, %iota3A, %eq3A : vector<16x512xi32>
      %jit3A = arith.constant 0.000000e+00 : f32
      %broadcast_in_dim3A_38 = vector.broadcast %jit3A : f32 to vector<16x512xf32>
      %select_n3A = arith.select %eq3A_37, %get3A_1, %broadcast_in_dim3A_38 : vector<16x512xi1>, vector<16x512xf32>
      %reduce_sum3A = arith.constant dense<0.000000e+00> : vector<16xf32>
      %reduce_sum3A_39 = vector.multi_reduction <add>, %select_n3A, %reduce_sum3A [1] : vector<16x512xf32> to vector<16xf32>
      %broadcast_in_dim3A_40 = vector.shape_cast %reduce_sum3A_39 : vector<16xf32> to vector<16x1xf32>
      %jit3A_41 = arith.constant 0.000000e+00 : f32
      %broadcast_in_dim3A_42 = vector.broadcast %jit3A_41 : f32 to vector<16x512xf32>
      %select_n3A_43 = arith.select %eq3A_37, %get3A_4, %broadcast_in_dim3A_42 : vector<16x512xi1>, vector<16x512xf32>
      %reduce_sum3A_44 = arith.constant dense<0.000000e+00> : vector<16xf32>
      %reduce_sum3A_45 = vector.multi_reduction <add>, %select_n3A_43, %reduce_sum3A_44 [1] : vector<16x512xf32> to vector<16xf32>
      %broadcast_in_dim3A_46 = vector.shape_cast %reduce_sum3A_45 : vector<16xf32> to vector<16x1xf32>
      %jit3A_47 = arith.constant 0.000000e+00 : f32
      %broadcast_in_dim3A_48 = vector.broadcast %jit3A_47 : f32 to vector<16x512xf32>
      %select_n3A_49 = arith.select %eq3A_37, %get3A_7, %broadcast_in_dim3A_48 : vector<16x512xi1>, vector<16x512xf32>
      %reduce_sum3A_50 = arith.constant dense<0.000000e+00> : vector<16xf32>
      %reduce_sum3A_51 = vector.multi_reduction <add>, %select_n3A_49, %reduce_sum3A_50 [1] : vector<16x512xf32> to vector<16xf32>
      %broadcast_in_dim3A_52 = vector.shape_cast %reduce_sum3A_51 : vector<16xf32> to vector<16x1xf32>
      %eq3A_53 = vector.broadcast %scan3A_31 : i32 to vector<16x128xi32>
      %eq3A_54 = arith.cmpi eq, %iota3A_8, %eq3A_53 : vector<16x128xi32>
      %broadcast_in_dim3A_55 = vector.shape_cast %broadcast_in_dim3A_40 : vector<16x1xf32> to vector<16x1xf32>
      %broadcast_in_dim3A_56 = vector.broadcast %broadcast_in_dim3A_55 : vector<16x1xf32> to vector<16x128xf32>
      %select_n3A_57 = arith.select %eq3A_54, %broadcast_in_dim3A_56, %scan3A_34 : vector<16x128xi1>, vector<16x128xf32>
      %broadcast_in_dim3A_58 = vector.shape_cast %broadcast_in_dim3A_46 : vector<16x1xf32> to vector<16x1xf32>
      %broadcast_in_dim3A_59 = vector.broadcast %broadcast_in_dim3A_58 : vector<16x1xf32> to vector<16x128xf32>
      %select_n3A_60 = arith.select %eq3A_54, %broadcast_in_dim3A_59, %scan3A_35 : vector<16x128xi1>, vector<16x128xf32>
      %broadcast_in_dim3A_61 = vector.shape_cast %broadcast_in_dim3A_52 : vector<16x1xf32> to vector<16x1xf32>
      %broadcast_in_dim3A_62 = vector.broadcast %broadcast_in_dim3A_61 : vector<16x1xf32> to vector<16x128xf32>
      %select_n3A_63 = arith.select %eq3A_54, %broadcast_in_dim3A_62, %scan3A_36 : vector<16x128xi1>, vector<16x128xf32>
      %sub3A = vector.broadcast %broadcast_in_dim3A_40 : vector<16x1xf32> to vector<16x512xf32>
      %sub3A_64 = arith.subf %get3A_1, %sub3A : vector<16x512xf32>
      %sub3A_65 = vector.broadcast %broadcast_in_dim3A_46 : vector<16x1xf32> to vector<16x512xf32>
      %sub3A_66 = arith.subf %get3A_4, %sub3A_65 : vector<16x512xf32>
      %sub3A_67 = vector.broadcast %broadcast_in_dim3A_52 : vector<16x1xf32> to vector<16x512xf32>
      %sub3A_68 = arith.subf %get3A_7, %sub3A_67 : vector<16x512xf32>
      %mul3A = arith.mulf %sub3A_64, %sub3A_64 : vector<16x512xf32>
      %mul3A_69 = arith.mulf %sub3A_66, %sub3A_66 : vector<16x512xf32>
      %add3A = arith.addf %mul3A, %mul3A_69 : vector<16x512xf32>
      %mul3A_70 = arith.mulf %sub3A_68, %sub3A_68 : vector<16x512xf32>
      %add3A_71 = arith.addf %add3A, %mul3A_70 : vector<16x512xf32>
      %min3A = arith.minimumf %scan3A_32, %add3A_71 : vector<16x512xf32>
      %reduce_max3A = arith.constant dense<0xFF800000> : vector<16xf32>
      %reduce_max3A_72 = vector.multi_reduction <maximumf>, %min3A, %reduce_max3A [1] : vector<16x512xf32> to vector<16xf32>
      %broadcast_in_dim3A_73 = vector.shape_cast %reduce_max3A_72 : vector<16xf32> to vector<16x1xf32>
      %eq3A_74 = vector.broadcast %broadcast_in_dim3A_73 : vector<16x1xf32> to vector<16x512xf32>
      %eq3A_75 = arith.cmpf oeq, %min3A, %eq3A_74 : vector<16x512xf32>
      %jit3A_76 = arith.constant 512 : i32
      %broadcast_in_dim3A_77 = vector.broadcast %jit3A_76 : i32 to vector<16x512xi32>
      %select_n3A_78 = arith.select %eq3A_75, %iota3A, %broadcast_in_dim3A_77 : vector<16x512xi1>, vector<16x512xi32>
      %reduce_min3A = arith.constant dense<2147483647> : vector<16xi32>
      %reduce_min3A_79 = vector.multi_reduction <minsi>, %select_n3A_78, %reduce_min3A [1] : vector<16x512xi32> to vector<16xi32>
      %broadcast_in_dim3A_80 = vector.shape_cast %reduce_min3A_79 : vector<16xi32> to vector<16x1xi32>
      scf.yield %min3A, %broadcast_in_dim3A_80, %select_n3A_57, %select_n3A_60, %select_n3A_63 : vector<16x512xf32>, vector<16x1xi32>, vector<16x128xf32>, vector<16x128xf32>, vector<16x128xf32>
    }
    %scan3A_22 = arith.constant 128 : i32
    %swap3A = arith.constant 0 : index
    %swap3A_23 = arith.constant 0 : index
    %swap3A_24 = vector.load %arg3[%swap3A, %swap3A_23] : memref<16x128xf32, #tpu.memory_space<vmem>>, vector<16x128xf32>
    tpu.vector_store %arg3[%swap3A, %swap3A_23], %scan3A_21#2 {strides = array<i32>} : memref<16x128xf32, #tpu.memory_space<vmem>>, vector<16x128xf32>,
    %swap3A_25 = arith.constant 0 : index
    %swap3A_26 = arith.constant 0 : index
    %swap3A_27 = vector.load %arg4[%swap3A_25, %swap3A_26] : memref<16x128xf32, #tpu.memory_space<vmem>>, vector<16x128xf32>
    tpu.vector_store %arg4[%swap3A_25, %swap3A_26], %scan3A_21#3 {strides = array<i32>} : memref<16x128xf32, #tpu.memory_space<vmem>>, vector<16x128xf32>,
    %swap3A_28 = arith.constant 0 : index
    %swap3A_29 = arith.constant 0 : index
    %swap3A_30 = vector.load %arg5[%swap3A_28, %swap3A_29] : memref<16x128xf32, #tpu.memory_space<vmem>>, vector<16x128xf32>
    tpu.vector_store %arg5[%swap3A_28, %swap3A_29], %scan3A_21#4 {strides = array<i32>} : memref<16x128xf32, #tpu.memory_space<vmem>>, vector<16x128xf32>,
    return
  }
}

module attributes {stable_mosaic.version = 14 : i64} {
  func.func @_bq_body(%arg0: i32, %arg1: memref<1x128x1xf32, #tpu.memory_space<vmem>>, %arg2: memref<1x128x1xf32, #tpu.memory_space<vmem>>, %arg3: memref<1x128x1xf32, #tpu.memory_space<vmem>>, %arg4: memref<1x1x512xf32, #tpu.memory_space<vmem>>, %arg5: memref<1x1x512xf32, #tpu.memory_space<vmem>>, %arg6: memref<1x1x512xf32, #tpu.memory_space<vmem>>, %arg7: memref<1x128x64xi32, #tpu.memory_space<vmem>>) attributes {dimension_semantics = [#tpu.dimension_semantics<arbitrary>], iteration_bounds = array<i64: 16>, scalar_prefetch = 0 : i64, scratch_operands = 0 : i64, tpu.core_type = #tpu.core_type<tc>, window_params = [{transform_indices = @transform_0, window_bounds = array<i64: 1, 128, 1>}, {transform_indices = @transform_1, window_bounds = array<i64: 1, 128, 1>}, {transform_indices = @transform_2, window_bounds = array<i64: 1, 128, 1>}, {transform_indices = @transform_3, window_bounds = array<i64: 1, 1, 512>}, {transform_indices = @transform_4, window_bounds = array<i64: 1, 1, 512>}, {transform_indices = @transform_5, window_bounds = array<i64: 1, 1, 512>}, {transform_indices = @transform_6, window_bounds = array<i64: 1, 128, 64>}]} {
    %get3A = arith.constant 0 : index
    %get3A_0 = arith.constant 0 : index
    %get3A_1 = arith.constant 0 : index
    %get3A_2 = vector.load %arg1[%get3A, %get3A_0, %get3A_1] : memref<1x128x1xf32, #tpu.memory_space<vmem>>, vector<1x128x1xf32>
    %get3A_3 = vector.shape_cast %get3A_2 : vector<1x128x1xf32> to vector<128x1xf32>
    %get3A_4 = arith.constant 0 : index
    %get3A_5 = arith.constant 0 : index
    %get3A_6 = arith.constant 0 : index
    %get3A_7 = vector.load %arg2[%get3A_4, %get3A_5, %get3A_6] : memref<1x128x1xf32, #tpu.memory_space<vmem>>, vector<1x128x1xf32>
    %get3A_8 = vector.shape_cast %get3A_7 : vector<1x128x1xf32> to vector<128x1xf32>
    %get3A_9 = arith.constant 0 : index
    %get3A_10 = arith.constant 0 : index
    %get3A_11 = arith.constant 0 : index
    %get3A_12 = vector.load %arg3[%get3A_9, %get3A_10, %get3A_11] : memref<1x128x1xf32, #tpu.memory_space<vmem>>, vector<1x128x1xf32>
    %get3A_13 = vector.shape_cast %get3A_12 : vector<1x128x1xf32> to vector<128x1xf32>
    %get3A_14 = arith.constant 0 : index
    %get3A_15 = arith.constant 0 : index
    %get3A_16 = arith.constant 0 : index
    %get3A_17 = vector.load %arg4[%get3A_14, %get3A_15, %get3A_16] : memref<1x1x512xf32, #tpu.memory_space<vmem>>, vector<1x1x512xf32>
    %get3A_18 = vector.shape_cast %get3A_17 : vector<1x1x512xf32> to vector<1x512xf32>
    %get3A_19 = arith.constant 0 : index
    %get3A_20 = arith.constant 0 : index
    %get3A_21 = arith.constant 0 : index
    %get3A_22 = vector.load %arg5[%get3A_19, %get3A_20, %get3A_21] : memref<1x1x512xf32, #tpu.memory_space<vmem>>, vector<1x1x512xf32>
    %get3A_23 = vector.shape_cast %get3A_22 : vector<1x1x512xf32> to vector<1x512xf32>
    %get3A_24 = arith.constant 0 : index
    %get3A_25 = arith.constant 0 : index
    %get3A_26 = arith.constant 0 : index
    %get3A_27 = vector.load %arg6[%get3A_24, %get3A_25, %get3A_26] : memref<1x1x512xf32, #tpu.memory_space<vmem>>, vector<1x1x512xf32>
    %get3A_28 = vector.shape_cast %get3A_27 : vector<1x1x512xf32> to vector<1x512xf32>
    %convert_element_type3A = arith.truncf %get3A_3 : vector<128x1xf32> to vector<128x1xbf16>
    %convert_element_type3A_29 = arith.extf %convert_element_type3A : vector<128x1xbf16> to vector<128x1xf32>
    %convert_element_type3A_30 = arith.truncf %get3A_8 : vector<128x1xf32> to vector<128x1xbf16>
    %convert_element_type3A_31 = arith.extf %convert_element_type3A_30 : vector<128x1xbf16> to vector<128x1xf32>
    %convert_element_type3A_32 = arith.truncf %get3A_13 : vector<128x1xf32> to vector<128x1xbf16>
    %convert_element_type3A_33 = arith.extf %convert_element_type3A_32 : vector<128x1xbf16> to vector<128x1xf32>
    %convert_element_type3A_34 = arith.truncf %get3A_18 : vector<1x512xf32> to vector<1x512xbf16>
    %convert_element_type3A_35 = arith.extf %convert_element_type3A_34 : vector<1x512xbf16> to vector<1x512xf32>
    %convert_element_type3A_36 = arith.truncf %get3A_23 : vector<1x512xf32> to vector<1x512xbf16>
    %convert_element_type3A_37 = arith.extf %convert_element_type3A_36 : vector<1x512xbf16> to vector<1x512xf32>
    %convert_element_type3A_38 = arith.truncf %get3A_28 : vector<1x512xf32> to vector<1x512xbf16>
    %convert_element_type3A_39 = arith.extf %convert_element_type3A_38 : vector<1x512xbf16> to vector<1x512xf32>
    %mul3A = vector.broadcast %convert_element_type3A_29 : vector<128x1xf32> to vector<128x512xf32>
    %mul3A_40 = vector.broadcast %convert_element_type3A_35 : vector<1x512xf32> to vector<128x512xf32>
    %mul3A_41 = arith.mulf %mul3A, %mul3A_40 : vector<128x512xf32>
    %mul3A_42 = vector.broadcast %convert_element_type3A_33 : vector<128x1xf32> to vector<128x512xf32>
    %mul3A_43 = vector.broadcast %convert_element_type3A_39 : vector<1x512xf32> to vector<128x512xf32>
    %mul3A_44 = arith.mulf %mul3A_42, %mul3A_43 : vector<128x512xf32>
    %add3A = arith.addf %mul3A_41, %mul3A_44 : vector<128x512xf32>
    %mul3A_45 = vector.broadcast %convert_element_type3A_31 : vector<128x1xf32> to vector<128x512xf32>
    %mul3A_46 = vector.broadcast %convert_element_type3A_37 : vector<1x512xf32> to vector<128x512xf32>
    %mul3A_47 = arith.mulf %mul3A_45, %mul3A_46 : vector<128x512xf32>
    %add3A_48 = arith.addf %add3A, %mul3A_47 : vector<128x512xf32>
    %mul3A_49 = arith.mulf %get3A_3, %get3A_3 : vector<128x1xf32>
    %mul3A_50 = arith.mulf %get3A_13, %get3A_13 : vector<128x1xf32>
    %add3A_51 = arith.addf %mul3A_49, %mul3A_50 : vector<128x1xf32>
    %mul3A_52 = arith.mulf %get3A_8, %get3A_8 : vector<128x1xf32>
    %add3A_53 = arith.addf %add3A_51, %mul3A_52 : vector<128x1xf32>
    %mul3A_54 = arith.mulf %get3A_18, %get3A_18 : vector<1x512xf32>
    %mul3A_55 = arith.mulf %get3A_28, %get3A_28 : vector<1x512xf32>
    %add3A_56 = arith.addf %mul3A_54, %mul3A_55 : vector<1x512xf32>
    %mul3A_57 = arith.mulf %get3A_23, %get3A_23 : vector<1x512xf32>
    %add3A_58 = arith.addf %add3A_56, %mul3A_57 : vector<1x512xf32>
    %mul3A_59 = arith.constant -2.000000e+00 : f32
    %mul3A_60 = vector.broadcast %mul3A_59 : f32 to vector<128x512xf32>
    %mul3A_61 = arith.mulf %mul3A_60, %add3A_48 : vector<128x512xf32>
    %add3A_62 = vector.broadcast %add3A_53 : vector<128x1xf32> to vector<128x512xf32>
    %add3A_63 = arith.addf %mul3A_61, %add3A_62 : vector<128x512xf32>
    %add3A_64 = vector.broadcast %add3A_58 : vector<1x512xf32> to vector<128x512xf32>
    %add3A_65 = arith.addf %add3A_63, %add3A_64 : vector<128x512xf32>
    %iota3A = tpu.iota {dimensions = array<i32: 1>} : vector<128x512xi32>
    %gt3A = arith.constant 1.600000e-01 : f32
    %gt3A_66 = vector.broadcast %gt3A : f32 to vector<128x512xf32>
    %gt3A_67 = arith.cmpf ogt, %add3A_65, %gt3A_66 : vector<128x512xf32>
    %not3A = arith.constant dense<true> : vector<128x512xi1>
    %not3A_68 = arith.xori %gt3A_67, %not3A : vector<128x512xi1>
    %jit3A = arith.constant 512 : i32
    %broadcast_in_dim3A = vector.broadcast %jit3A : i32 to vector<128x512xi32>
    %select_n3A = arith.select %not3A_68, %iota3A, %broadcast_in_dim3A : vector<128x512xi1>, vector<128x512xi32>
    %iota3A_69 = tpu.iota {dimensions = array<i32: 1>} : vector<128x64xi32>
    %reduce_min3A = arith.constant dense<2147483647> : vector<128xi32>
    %reduce_min3A_70 = vector.multi_reduction <minsi>, %select_n3A, %reduce_min3A [1] : vector<128x512xi32> to vector<128xi32>
    %broadcast_in_dim3A_71 = vector.shape_cast %reduce_min3A_70 : vector<128xi32> to vector<128x1xi32>
    %broadcast_in_dim3A_72 = vector.shape_cast %broadcast_in_dim3A_71 : vector<128x1xi32> to vector<128x1xi32>
    %broadcast_in_dim3A_73 = vector.broadcast %broadcast_in_dim3A_72 : vector<128x1xi32> to vector<128x64xi32>
    %while3A = arith.constant 1 : i32
    %while3A_74:3 = scf.while (%while3A_86 = %while3A, %while3A_87 = %broadcast_in_dim3A_71, %while3A_88 = %broadcast_in_dim3A_73) : (i32, vector<128x1xi32>, vector<128x64xi32>) -> (i32, vector<128x1xi32>, vector<128x64xi32>) {
      %lt3A = arith.constant 64 : i32
      %lt3A_89 = arith.cmpi slt, %while3A_86, %lt3A : i32
      %reduce_min3A_90 = vector.shape_cast %while3A_87 : vector<128x1xi32> to vector<1x128x1xi32>
      %reduce_min3A_91 = arith.constant dense<2147483647> : vector<1xi32>
      %reduce_min3A_92 = vector.multi_reduction <minsi>, %reduce_min3A_90, %reduce_min3A_91 [1, 2] : vector<1x128x1xi32> to vector<1xi32>
      %reduce_min3A_93 = vector.shape_cast %reduce_min3A_92 : vector<1xi32> to vector<1x1x1xi32>
      %reduce_min3A_94 = vector.extract %reduce_min3A_93[0, 0, 0] : i32 from vector<1x1x1xi32>
      %lt3A_95 = arith.constant 512 : i32
      %lt3A_96 = arith.cmpi slt, %reduce_min3A_94, %lt3A_95 : i32
      %and3A = arith.andi %lt3A_89, %lt3A_96 : i1
      scf.condition(%and3A) %while3A_86, %while3A_87, %while3A_88 : i32, vector<128x1xi32>, vector<128x64xi32>
    } do {
    ^bb0(%while3A_86: i32, %while3A_87: vector<128x1xi32>, %while3A_88: vector<128x64xi32>):
      %gt3A_89 = vector.broadcast %while3A_87 : vector<128x1xi32> to vector<128x512xi32>
      %gt3A_90 = arith.cmpi sgt, %select_n3A, %gt3A_89 : vector<128x512xi32>
      %jit3A_91 = arith.constant 512 : i32
      %broadcast_in_dim3A_92 = vector.broadcast %jit3A_91 : i32 to vector<128x512xi32>
      %select_n3A_93 = arith.select %gt3A_90, %select_n3A, %broadcast_in_dim3A_92 : vector<128x512xi1>, vector<128x512xi32>
      %reduce_min3A_94 = arith.constant dense<2147483647> : vector<128xi32>
      %reduce_min3A_95 = vector.multi_reduction <minsi>, %select_n3A_93, %reduce_min3A_94 [1] : vector<128x512xi32> to vector<128xi32>
      %broadcast_in_dim3A_96 = vector.shape_cast %reduce_min3A_95 : vector<128xi32> to vector<128x1xi32>
      %eq3A = arith.constant 512 : i32
      %eq3A_97 = vector.broadcast %eq3A : i32 to vector<128x1xi32>
      %eq3A_98 = arith.cmpi eq, %broadcast_in_dim3A_96, %eq3A_97 : vector<128x1xi32>
      %select_n3A_99 = arith.select %eq3A_98, %broadcast_in_dim3A_71, %broadcast_in_dim3A_96 : vector<128x1xi1>, vector<128x1xi32>
      %eq3A_100 = vector.broadcast %while3A_86 : i32 to vector<128x64xi32>
      %eq3A_101 = arith.cmpi eq, %iota3A_69, %eq3A_100 : vector<128x64xi32>
      %broadcast_in_dim3A_102 = vector.shape_cast %select_n3A_99 : vector<128x1xi32> to vector<128x1xi32>
      %broadcast_in_dim3A_103 = vector.broadcast %broadcast_in_dim3A_102 : vector<128x1xi32> to vector<128x64xi32>
      %select_n3A_104 = arith.select %eq3A_101, %broadcast_in_dim3A_103, %while3A_88 : vector<128x64xi1>, vector<128x64xi32>
      %add3A_105 = arith.constant 1 : i32
      %add3A_106 = arith.addi %while3A_86, %add3A_105 : i32
      scf.yield %add3A_106, %broadcast_in_dim3A_96, %select_n3A_104 : i32, vector<128x1xi32>, vector<128x64xi32>
    }
    %min3A = arith.constant 511 : i32
    %min3A_75 = vector.broadcast %min3A : i32 to vector<128x64xi32>
    %min3A_76 = arith.minsi %while3A_74#2, %min3A_75 : vector<128x64xi32>
    %mul3A_77 = arith.constant 512 : i32
    %mul3A_78 = arith.muli %arg0, %mul3A_77 : i32
    %add3A_79 = vector.broadcast %mul3A_78 : i32 to vector<128x64xi32>
    %add3A_80 = arith.addi %min3A_76, %add3A_79 : vector<128x64xi32>
    %swap3A = arith.constant 0 : index
    %swap3A_81 = arith.constant 0 : index
    %swap3A_82 = arith.constant 0 : index
    %swap3A_83 = vector.load %arg7[%swap3A, %swap3A_81, %swap3A_82] : memref<1x128x64xi32, #tpu.memory_space<vmem>>, vector<1x128x64xi32>
    %swap3A_84 = vector.shape_cast %swap3A_83 : vector<1x128x64xi32> to vector<128x64xi32>
    %swap3A_85 = vector.shape_cast %add3A_80 : vector<128x64xi32> to vector<1x128x64xi32>
    tpu.vector_store %arg7[%swap3A, %swap3A_81, %swap3A_82], %swap3A_85 {strides = array<i32>} : memref<1x128x64xi32, #tpu.memory_space<vmem>>, vector<1x128x64xi32>,
    return
  }
  func.func @transform_0(%arg0: i32) -> (i32, i32, i32) {
    %c0_i32 = arith.constant 0 : i32
    %c0_i32_0 = arith.constant 0 : i32
    %c0_i32_1 = arith.constant 0 : i32
    return %arg0, %c0_i32, %c0_i32_0 : i32, i32, i32
  }
  func.func @transform_1(%arg0: i32) -> (i32, i32, i32) {
    %c0_i32 = arith.constant 0 : i32
    %c0_i32_0 = arith.constant 0 : i32
    %c0_i32_1 = arith.constant 0 : i32
    return %arg0, %c0_i32, %c0_i32_0 : i32, i32, i32
  }
  func.func @transform_2(%arg0: i32) -> (i32, i32, i32) {
    %c0_i32 = arith.constant 0 : i32
    %c0_i32_0 = arith.constant 0 : i32
    %c0_i32_1 = arith.constant 0 : i32
    return %arg0, %c0_i32, %c0_i32_0 : i32, i32, i32
  }
  func.func @transform_3(%arg0: i32) -> (i32, i32, i32) {
    %c0_i32 = arith.constant 0 : i32
    %c0_i32_0 = arith.constant 0 : i32
    %c0_i32_1 = arith.constant 0 : i32
    return %arg0, %c0_i32, %c0_i32_0 : i32, i32, i32
  }
  func.func @transform_4(%arg0: i32) -> (i32, i32, i32) {
    %c0_i32 = arith.constant 0 : i32
    %c0_i32_0 = arith.constant 0 : i32
    %c0_i32_1 = arith.constant 0 : i32
    return %arg0, %c0_i32, %c0_i32_0 : i32, i32, i32
  }
  func.func @transform_5(%arg0: i32) -> (i32, i32, i32) {
    %c0_i32 = arith.constant 0 : i32
    %c0_i32_0 = arith.constant 0 : i32
    %c0_i32_1 = arith.constant 0 : i32
    return %arg0, %c0_i32, %c0_i32_0 : i32, i32, i32
  }
  func.func @transform_6(%arg0: i32) -> (i32, i32, i32) {
    %c0_i32 = arith.constant 0 : i32
    %c0_i32_0 = arith.constant 0 : i32
    %c0_i32_1 = arith.constant 0 : i32
    return %arg0, %c0_i32, %c0_i32_0 : i32, i32, i32
  }
}

module attributes {stable_mosaic.version = 14 : i64} {
  func.func @_mlp_body(%arg0: i32, %arg1: memref<1x16384x16xf32, #tpu.memory_space<vmem>>, %arg2: memref<16x128xf32, #tpu.memory_space<vmem>>, %arg3: memref<1x128xf32, #tpu.memory_space<vmem>>, %arg4: memref<1x512x1xf32, #tpu.memory_space<vmem>>, %arg5: memref<1x512x1xf32, #tpu.memory_space<vmem>>, %arg6: memref<1x512x1xf32, #tpu.memory_space<vmem>>, %arg7: memref<1x512x128xf32, #tpu.memory_space<vmem>>, %arg8: memref<1x512x128xf32, #tpu.memory_space<vmem>>, %arg9: memref<1x128xf32, #tpu.memory_space<vmem>>, %arg10: memref<1x128xf32, #tpu.memory_space<vmem>>) attributes {dimension_semantics = [#tpu.dimension_semantics<arbitrary>], iteration_bounds = array<i64: 16>, scalar_prefetch = 0 : i64, scratch_operands = 0 : i64, tpu.core_type = #tpu.core_type<tc>, window_params = [{transform_indices = @transform_0, window_bounds = array<i64: 1, 16384, 16>}, {pipeline_mode = #tpu.pipeline_mode<synchronous>, transform_indices = @transform_1, window_bounds = array<i64: 16, 128>}, {pipeline_mode = #tpu.pipeline_mode<synchronous>, transform_indices = @transform_2, window_bounds = array<i64: 1, 128>}, {transform_indices = @transform_3, window_bounds = array<i64: 1, 512, 1>}, {transform_indices = @transform_4, window_bounds = array<i64: 1, 512, 1>}, {transform_indices = @transform_5, window_bounds = array<i64: 1, 512, 1>}, {transform_indices = @transform_6, window_bounds = array<i64: 1, 512, 128>}, {transform_indices = @transform_7, window_bounds = array<i64: 1, 512, 128>}, {pipeline_mode = #tpu.pipeline_mode<synchronous>, transform_indices = @transform_8, window_bounds = array<i64: 1, 128>}, {pipeline_mode = #tpu.pipeline_mode<synchronous>, transform_indices = @transform_9, window_bounds = array<i64: 1, 128>}]} {
    %get3A = arith.constant 0 : index
    %get3A_0 = arith.constant 0 : index
    %get3A_1 = arith.constant 0 : index
    %get3A_2 = vector.load %arg1[%get3A, %get3A_0, %get3A_1] : memref<1x16384x16xf32, #tpu.memory_space<vmem>>, vector<1x16384x16xf32>
    %get3A_3 = vector.shape_cast %get3A_2 : vector<1x16384x16xf32> to vector<16384x16xf32>
    %reshape3A = vector.shape_cast %get3A_3 : vector<16384x16xf32> to vector<512x32x16xf32>
    %get3A_4 = arith.constant 0 : index
    %get3A_5 = arith.constant 0 : index
    %get3A_6 = arith.constant 0 : index
    %get3A_7 = vector.load %arg4[%get3A_4, %get3A_5, %get3A_6] : memref<1x512x1xf32, #tpu.memory_space<vmem>>, vector<1x512x1xf32>
    %get3A_8 = vector.shape_cast %get3A_7 : vector<1x512x1xf32> to vector<512x1xf32>
    %get3A_9 = arith.constant 0 : index
    %get3A_10 = arith.constant 0 : index
    %get3A_11 = arith.constant 0 : index
    %get3A_12 = vector.load %arg5[%get3A_9, %get3A_10, %get3A_11] : memref<1x512x1xf32, #tpu.memory_space<vmem>>, vector<1x512x1xf32>
    %get3A_13 = vector.shape_cast %get3A_12 : vector<1x512x1xf32> to vector<512x1xf32>
    %get3A_14 = arith.constant 0 : index
    %get3A_15 = arith.constant 0 : index
    %get3A_16 = arith.constant 0 : index
    %get3A_17 = vector.load %arg6[%get3A_14, %get3A_15, %get3A_16] : memref<1x512x1xf32, #tpu.memory_space<vmem>>, vector<1x512x1xf32>
    %get3A_18 = vector.shape_cast %get3A_17 : vector<1x512x1xf32> to vector<512x1xf32>
    %broadcast_in_dim3A = arith.constant 0.000000e+00 : f32
    %broadcast_in_dim3A_19 = vector.broadcast %broadcast_in_dim3A : f32 to vector<512x13xf32>
    %concatenate3A = tpu.concatenate %get3A_8, %get3A_13, %get3A_18, %broadcast_in_dim3A_19 in 1 : vector<512x1xf32>, vector<512x1xf32>, vector<512x1xf32>, vector<512x13xf32> -> vector<512x16xf32>
    %broadcast_in_dim3A_20 = vector.shape_cast %concatenate3A : vector<512x16xf32> to vector<512x1x16xf32>
    %sub3A = vector.broadcast %broadcast_in_dim3A_20 : vector<512x1x16xf32> to vector<512x32x16xf32>
    %sub3A_21 = arith.subf %reshape3A, %sub3A : vector<512x32x16xf32>
    %convert_element_type3A = arith.truncf %sub3A_21 : vector<512x32x16xf32> to vector<512x32x16xbf16>
    %reshape3A_22 = vector.shape_cast %convert_element_type3A : vector<512x32x16xbf16> to vector<16384x16xbf16>
    %get3A_23 = arith.constant 0 : index
    %get3A_24 = arith.constant 0 : index
    %get3A_25 = vector.load %arg2[%get3A_23, %get3A_24] : memref<16x128xf32, #tpu.memory_space<vmem>>, vector<16x128xf32>
    %convert_element_type3A_26 = arith.truncf %get3A_25 : vector<16x128xf32> to vector<16x128xbf16>
    %dot_general3A = arith.constant dense<0.000000e+00> : vector<16384x128xf32>
    %dot_general3A_27 = tpu.matmul %reshape3A_22, %convert_element_type3A_26, %dot_general3A {dimension_numbers = #tpu.dot_dimension_numbers<[1], [0], [0], [1], [0, 0, 1, 1], [], []>, transpose_lhs_hint = false} : vector<16384x16xbf16>, vector<16x128xbf16>, vector<16384x128xf32> -> vector<16384x128xf32>
    %reshape3A_28 = vector.shape_cast %dot_general3A_27 : vector<16384x128xf32> to vector<512x32x128xf32>
    %get3A_29 = arith.constant 0 : index
    %get3A_30 = arith.constant 0 : index
    %get3A_31 = vector.load %arg3[%get3A_29, %get3A_30] : memref<1x128xf32, #tpu.memory_space<vmem>>, vector<1x128xf32>
    %broadcast_in_dim3A_32 = vector.shape_cast %get3A_31 : vector<1x128xf32> to vector<1x1x128xf32>
    %add3A = vector.broadcast %broadcast_in_dim3A_32 : vector<1x1x128xf32> to vector<512x32x128xf32>
    %add3A_33 = arith.addf %reshape3A_28, %add3A : vector<512x32x128xf32>
    %reduce_max3A = arith.constant dense<0xFF800000> : vector<512x128xf32>
    %reduce_max3A_34 = vector.multi_reduction <maximumf>, %add3A_33, %reduce_max3A [1] : vector<512x32x128xf32> to vector<512x128xf32>
    %swap3A = arith.constant 0 : index
    %swap3A_35 = arith.constant 0 : index
    %swap3A_36 = arith.constant 0 : index
    %swap3A_37 = vector.load %arg7[%swap3A, %swap3A_35, %swap3A_36] : memref<1x512x128xf32, #tpu.memory_space<vmem>>, vector<1x512x128xf32>
    %swap3A_38 = vector.shape_cast %swap3A_37 : vector<1x512x128xf32> to vector<512x128xf32>
    %swap3A_39 = vector.shape_cast %reduce_max3A_34 : vector<512x128xf32> to vector<1x512x128xf32>
    tpu.vector_store %arg7[%swap3A, %swap3A_35, %swap3A_36], %swap3A_39 {strides = array<i32>} : memref<1x512x128xf32, #tpu.memory_space<vmem>>, vector<1x512x128xf32>,
    %reduce_min3A = arith.constant dense<0x7F800000> : vector<512x128xf32>
    %reduce_min3A_40 = vector.multi_reduction <minimumf>, %add3A_33, %reduce_min3A [1] : vector<512x32x128xf32> to vector<512x128xf32>
    %swap3A_41 = arith.constant 0 : index
    %swap3A_42 = arith.constant 0 : index
    %swap3A_43 = arith.constant 0 : index
    %swap3A_44 = vector.load %arg8[%swap3A_41, %swap3A_42, %swap3A_43] : memref<1x512x128xf32, #tpu.memory_space<vmem>>, vector<1x512x128xf32>
    %swap3A_45 = vector.shape_cast %swap3A_44 : vector<1x512x128xf32> to vector<512x128xf32>
    %swap3A_46 = vector.shape_cast %reduce_min3A_40 : vector<512x128xf32> to vector<1x512x128xf32>
    tpu.vector_store %arg8[%swap3A_41, %swap3A_42, %swap3A_43], %swap3A_46 {strides = array<i32>} : memref<1x512x128xf32, #tpu.memory_space<vmem>>, vector<1x512x128xf32>,
    %reduce_sum3A = arith.constant dense<0.000000e+00> : vector<512x128xf32>
    %reduce_sum3A_47 = vector.multi_reduction <add>, %add3A_33, %reduce_sum3A [1] : vector<512x32x128xf32> to vector<512x128xf32>
    %reduce_sum3A_48 = arith.constant dense<0.000000e+00> : vector<128xf32>
    %reduce_sum3A_49 = vector.multi_reduction <add>, %reduce_sum3A_47, %reduce_sum3A_48 [0] : vector<512x128xf32> to vector<128xf32>
    %broadcast_in_dim3A_50 = vector.shape_cast %reduce_sum3A_49 : vector<128xf32> to vector<1x128xf32>
    %mul3A = arith.mulf %add3A_33, %add3A_33 : vector<512x32x128xf32>
    %reduce_sum3A_51 = arith.constant dense<0.000000e+00> : vector<512x128xf32>
    %reduce_sum3A_52 = vector.multi_reduction <add>, %mul3A, %reduce_sum3A_51 [1] : vector<512x32x128xf32> to vector<512x128xf32>
    %reduce_sum3A_53 = arith.constant dense<0.000000e+00> : vector<128xf32>
    %reduce_sum3A_54 = vector.multi_reduction <add>, %reduce_sum3A_52, %reduce_sum3A_53 [0] : vector<512x128xf32> to vector<128xf32>
    %broadcast_in_dim3A_55 = vector.shape_cast %reduce_sum3A_54 : vector<128xf32> to vector<1x128xf32>
    %eq3A = arith.constant 0 : i32
    %eq3A_56 = arith.cmpi eq, %arg0, %eq3A : i32
    %convert_element_type3A_57 = arith.extui %eq3A_56 : i1 to i32
    %cond3A = arith.constant 0 : i32
    %cond3A_58 = arith.cmpi ne, %convert_element_type3A_57, %cond3A : i32
    scf.if %cond3A_58 {
      %broadcast_in_dim3A_73 = arith.constant 0.000000e+00 : f32
      %broadcast_in_dim3A_74 = vector.broadcast %broadcast_in_dim3A_73 : f32 to vector<1x128xf32>
      %swap3A_75 = arith.constant 0 : index
      %swap3A_76 = arith.constant 0 : index
      %swap3A_77 = vector.load %arg9[%swap3A_75, %swap3A_76] : memref<1x128xf32, #tpu.memory_space<vmem>>, vector<1x128xf32>
      tpu.vector_store %arg9[%swap3A_75, %swap3A_76], %broadcast_in_dim3A_74 {strides = array<i32>} : memref<1x128xf32, #tpu.memory_space<vmem>>, vector<1x128xf32>,
      %broadcast_in_dim3A_78 = arith.constant 0.000000e+00 : f32
      %broadcast_in_dim3A_79 = vector.broadcast %broadcast_in_dim3A_78 : f32 to vector<1x128xf32>
      %swap3A_80 = arith.constant 0 : index
      %swap3A_81 = arith.constant 0 : index
      %swap3A_82 = vector.load %arg10[%swap3A_80, %swap3A_81] : memref<1x128xf32, #tpu.memory_space<vmem>>, vector<1x128xf32>
      tpu.vector_store %arg10[%swap3A_80, %swap3A_81], %broadcast_in_dim3A_79 {strides = array<i32>} : memref<1x128xf32, #tpu.memory_space<vmem>>, vector<1x128xf32>,
    } else {
    }
    %get3A_59 = arith.constant 0 : index
    %get3A_60 = arith.constant 0 : index
    %get3A_61 = vector.load %arg9[%get3A_59, %get3A_60] : memref<1x128xf32, #tpu.memory_space<vmem>>, vector<1x128xf32>
    %add3A_62 = arith.addf %get3A_61, %broadcast_in_dim3A_50 : vector<1x128xf32>
    %swap3A_63 = arith.constant 0 : index
    %swap3A_64 = arith.constant 0 : index
    %swap3A_65 = vector.load %arg9[%swap3A_63, %swap3A_64] : memref<1x128xf32, #tpu.memory_space<vmem>>, vector<1x128xf32>
    tpu.vector_store %arg9[%swap3A_63, %swap3A_64], %add3A_62 {strides = array<i32>} : memref<1x128xf32, #tpu.memory_space<vmem>>, vector<1x128xf32>,
    %get3A_66 = arith.constant 0 : index
    %get3A_67 = arith.constant 0 : index
    %get3A_68 = vector.load %arg10[%get3A_66, %get3A_67] : memref<1x128xf32, #tpu.memory_space<vmem>>, vector<1x128xf32>
    %add3A_69 = arith.addf %get3A_68, %broadcast_in_dim3A_55 : vector<1x128xf32>
    %swap3A_70 = arith.constant 0 : index
    %swap3A_71 = arith.constant 0 : index
    %swap3A_72 = vector.load %arg10[%swap3A_70, %swap3A_71] : memref<1x128xf32, #tpu.memory_space<vmem>>, vector<1x128xf32>
    tpu.vector_store %arg10[%swap3A_70, %swap3A_71], %add3A_69 {strides = array<i32>} : memref<1x128xf32, #tpu.memory_space<vmem>>, vector<1x128xf32>,
    return
  }
  func.func @transform_0(%arg0: i32) -> (i32, i32, i32) {
    %c0_i32 = arith.constant 0 : i32
    %c0_i32_0 = arith.constant 0 : i32
    %c0_i32_1 = arith.constant 0 : i32
    return %arg0, %c0_i32, %c0_i32_0 : i32, i32, i32
  }
  func.func @transform_1(%arg0: i32) -> (i32, i32) {
    %c0_i32 = arith.constant 0 : i32
    %c0_i32_0 = arith.constant 0 : i32
    %c0_i32_1 = arith.constant 0 : i32
    return %c0_i32, %c0_i32_0 : i32, i32
  }
  func.func @transform_2(%arg0: i32) -> (i32, i32) {
    %c0_i32 = arith.constant 0 : i32
    %c0_i32_0 = arith.constant 0 : i32
    %c0_i32_1 = arith.constant 0 : i32
    return %c0_i32, %c0_i32_0 : i32, i32
  }
  func.func @transform_3(%arg0: i32) -> (i32, i32, i32) {
    %c0_i32 = arith.constant 0 : i32
    %c0_i32_0 = arith.constant 0 : i32
    %c0_i32_1 = arith.constant 0 : i32
    return %arg0, %c0_i32, %c0_i32_0 : i32, i32, i32
  }
  func.func @transform_4(%arg0: i32) -> (i32, i32, i32) {
    %c0_i32 = arith.constant 0 : i32
    %c0_i32_0 = arith.constant 0 : i32
    %c0_i32_1 = arith.constant 0 : i32
    return %arg0, %c0_i32, %c0_i32_0 : i32, i32, i32
  }
  func.func @transform_5(%arg0: i32) -> (i32, i32, i32) {
    %c0_i32 = arith.constant 0 : i32
    %c0_i32_0 = arith.constant 0 : i32
    %c0_i32_1 = arith.constant 0 : i32
    return %arg0, %c0_i32, %c0_i32_0 : i32, i32, i32
  }
  func.func @transform_6(%arg0: i32) -> (i32, i32, i32) {
    %c0_i32 = arith.constant 0 : i32
    %c0_i32_0 = arith.constant 0 : i32
    %c0_i32_1 = arith.constant 0 : i32
    return %arg0, %c0_i32, %c0_i32_0 : i32, i32, i32
  }
  func.func @transform_7(%arg0: i32) -> (i32, i32, i32) {
    %c0_i32 = arith.constant 0 : i32
    %c0_i32_0 = arith.constant 0 : i32
    %c0_i32_1 = arith.constant 0 : i32
    return %arg0, %c0_i32, %c0_i32_0 : i32, i32, i32
  }
  func.func @transform_8(%arg0: i32) -> (i32, i32) {
    %c0_i32 = arith.constant 0 : i32
    %c0_i32_0 = arith.constant 0 : i32
    %c0_i32_1 = arith.constant 0 : i32
    return %c0_i32, %c0_i32_0 : i32, i32
  }
  func.func @transform_9(%arg0: i32) -> (i32, i32) {
    %c0_i32 = arith.constant 0 : i32
    %c0_i32_0 = arith.constant 0 : i32
    %c0_i32_1 = arith.constant 0 : i32
    return %c0_i32, %c0_i32_0 : i32, i32
  }
}

module attributes {stable_mosaic.version = 14 : i64} {
  func.func @_bn_body(%arg0: i32, %arg1: memref<1x512x128xf32, #tpu.memory_space<vmem>>, %arg2: memref<1x512x128xf32, #tpu.memory_space<vmem>>, %arg3: memref<1x128xf32, #tpu.memory_space<vmem>>, %arg4: memref<1x128xf32, #tpu.memory_space<vmem>>, %arg5: memref<1x128xf32, #tpu.memory_space<vmem>>, %arg6: memref<1x128xf32, #tpu.memory_space<vmem>>, %arg7: memref<1x512x1xf32, #tpu.memory_space<vmem>>, %arg8: memref<1x512x1xf32, #tpu.memory_space<vmem>>, %arg9: memref<1x512x1xf32, #tpu.memory_space<vmem>>, %arg10: memref<1x512x144xf32, #tpu.memory_space<vmem>>) attributes {dimension_semantics = [#tpu.dimension_semantics<arbitrary>], iteration_bounds = array<i64: 16>, scalar_prefetch = 0 : i64, scratch_operands = 0 : i64, tpu.core_type = #tpu.core_type<tc>, window_params = [{transform_indices = @transform_0, window_bounds = array<i64: 1, 512, 128>}, {transform_indices = @transform_1, window_bounds = array<i64: 1, 512, 128>}, {pipeline_mode = #tpu.pipeline_mode<synchronous>, transform_indices = @transform_2, window_bounds = array<i64: 1, 128>}, {pipeline_mode = #tpu.pipeline_mode<synchronous>, transform_indices = @transform_3, window_bounds = array<i64: 1, 128>}, {pipeline_mode = #tpu.pipeline_mode<synchronous>, transform_indices = @transform_4, window_bounds = array<i64: 1, 128>}, {pipeline_mode = #tpu.pipeline_mode<synchronous>, transform_indices = @transform_5, window_bounds = array<i64: 1, 128>}, {transform_indices = @transform_6, window_bounds = array<i64: 1, 512, 1>}, {transform_indices = @transform_7, window_bounds = array<i64: 1, 512, 1>}, {transform_indices = @transform_8, window_bounds = array<i64: 1, 512, 1>}, {transform_indices = @transform_9, window_bounds = array<i64: 1, 512, 144>}]} {
    %get3A = arith.constant 0 : index
    %get3A_0 = arith.constant 0 : index
    %get3A_1 = vector.load %arg3[%get3A, %get3A_0] : memref<1x128xf32, #tpu.memory_space<vmem>>, vector<1x128xf32>
    %mul3A = arith.constant 3.81469727E-6 : f32
    %mul3A_2 = vector.broadcast %mul3A : f32 to vector<1x128xf32>
    %mul3A_3 = arith.mulf %get3A_1, %mul3A_2 : vector<1x128xf32>
    %get3A_4 = arith.constant 0 : index
    %get3A_5 = arith.constant 0 : index
    %get3A_6 = vector.load %arg4[%get3A_4, %get3A_5] : memref<1x128xf32, #tpu.memory_space<vmem>>, vector<1x128xf32>
    %mul3A_7 = arith.constant 3.81469727E-6 : f32
    %mul3A_8 = vector.broadcast %mul3A_7 : f32 to vector<1x128xf32>
    %mul3A_9 = arith.mulf %get3A_6, %mul3A_8 : vector<1x128xf32>
    %mul3A_10 = arith.mulf %mul3A_3, %mul3A_3 : vector<1x128xf32>
    %sub3A = arith.subf %mul3A_9, %mul3A_10 : vector<1x128xf32>
    %max3A = arith.constant 0.000000e+00 : f32
    %max3A_11 = vector.broadcast %max3A : f32 to vector<1x128xf32>
    %max3A_12 = arith.maximumf %sub3A, %max3A_11 : vector<1x128xf32>
    %add3A = arith.constant 9.99999974E-6 : f32
    %add3A_13 = vector.broadcast %add3A : f32 to vector<1x128xf32>
    %add3A_14 = arith.addf %max3A_12, %add3A_13 : vector<1x128xf32>
    %sqrt3A = math.sqrt %add3A_14 : vector<1x128xf32>
    %div3A = arith.constant 1.000000e+00 : f32
    %div3A_15 = vector.broadcast %div3A : f32 to vector<1x128xf32>
    %div3A_16 = arith.divf %div3A_15, %sqrt3A : vector<1x128xf32>
    %get3A_17 = arith.constant 0 : index
    %get3A_18 = arith.constant 0 : index
    %get3A_19 = vector.load %arg5[%get3A_17, %get3A_18] : memref<1x128xf32, #tpu.memory_space<vmem>>, vector<1x128xf32>
    %mul3A_20 = arith.mulf %div3A_16, %get3A_19 : vector<1x128xf32>
    %get3A_21 = arith.constant 0 : index
    %get3A_22 = arith.constant 0 : index
    %get3A_23 = vector.load %arg6[%get3A_21, %get3A_22] : memref<1x128xf32, #tpu.memory_space<vmem>>, vector<1x128xf32>
    %mul3A_24 = arith.mulf %mul3A_3, %mul3A_20 : vector<1x128xf32>
    %sub3A_25 = arith.subf %get3A_23, %mul3A_24 : vector<1x128xf32>
    %ge3A = arith.constant 0.000000e+00 : f32
    %ge3A_26 = vector.broadcast %ge3A : f32 to vector<1x128xf32>
    %ge3A_27 = arith.cmpf oge, %mul3A_20, %ge3A_26 : vector<1x128xf32>
    %get3A_28 = arith.constant 0 : index
    %get3A_29 = arith.constant 0 : index
    %get3A_30 = arith.constant 0 : index
    %get3A_31 = vector.load %arg1[%get3A_28, %get3A_29, %get3A_30] : memref<1x512x128xf32, #tpu.memory_space<vmem>>, vector<1x512x128xf32>
    %get3A_32 = vector.shape_cast %get3A_31 : vector<1x512x128xf32> to vector<512x128xf32>
    %get3A_33 = arith.constant 0 : index
    %get3A_34 = arith.constant 0 : index
    %get3A_35 = arith.constant 0 : index
    %get3A_36 = vector.load %arg2[%get3A_33, %get3A_34, %get3A_35] : memref<1x512x128xf32, #tpu.memory_space<vmem>>, vector<1x512x128xf32>
    %get3A_37 = vector.shape_cast %get3A_36 : vector<1x512x128xf32> to vector<512x128xf32>
    %broadcast_in_dim3A = vector.shape_cast %ge3A_27 : vector<1x128xi1> to vector<1x128xi1>
    %broadcast_in_dim3A_38 = vector.broadcast %broadcast_in_dim3A : vector<1x128xi1> to vector<512x128xi1>
    %select_n3A = arith.select %broadcast_in_dim3A_38, %get3A_32, %get3A_37 : vector<512x128xi1>, vector<512x128xf32>
    %mul3A_39 = vector.broadcast %mul3A_20 : vector<1x128xf32> to vector<512x128xf32>
    %mul3A_40 = arith.mulf %select_n3A, %mul3A_39 : vector<512x128xf32>
    %add3A_41 = vector.broadcast %sub3A_25 : vector<1x128xf32> to vector<512x128xf32>
    %add3A_42 = arith.addf %mul3A_40, %add3A_41 : vector<512x128xf32>
    %max3A_43 = arith.constant 0.000000e+00 : f32
    %max3A_44 = vector.broadcast %max3A_43 : f32 to vector<512x128xf32>
    %max3A_45 = arith.maximumf %add3A_42, %max3A_44 : vector<512x128xf32>
    %get3A_46 = arith.constant 0 : index
    %get3A_47 = arith.constant 0 : index
    %get3A_48 = arith.constant 0 : index
    %get3A_49 = vector.load %arg7[%get3A_46, %get3A_47, %get3A_48] : memref<1x512x1xf32, #tpu.memory_space<vmem>>, vector<1x512x1xf32>
    %get3A_50 = vector.shape_cast %get3A_49 : vector<1x512x1xf32> to vector<512x1xf32>
    %get3A_51 = arith.constant 0 : index
    %get3A_52 = arith.constant 0 : index
    %get3A_53 = arith.constant 0 : index
    %get3A_54 = vector.load %arg8[%get3A_51, %get3A_52, %get3A_53] : memref<1x512x1xf32, #tpu.memory_space<vmem>>, vector<1x512x1xf32>
    %get3A_55 = vector.shape_cast %get3A_54 : vector<1x512x1xf32> to vector<512x1xf32>
    %get3A_56 = arith.constant 0 : index
    %get3A_57 = arith.constant 0 : index
    %get3A_58 = arith.constant 0 : index
    %get3A_59 = vector.load %arg9[%get3A_56, %get3A_57, %get3A_58] : memref<1x512x1xf32, #tpu.memory_space<vmem>>, vector<1x512x1xf32>
    %get3A_60 = vector.shape_cast %get3A_59 : vector<1x512x1xf32> to vector<512x1xf32>
    %broadcast_in_dim3A_61 = arith.constant 0.000000e+00 : f32
    %broadcast_in_dim3A_62 = vector.broadcast %broadcast_in_dim3A_61 : f32 to vector<512x13xf32>
    %concatenate3A = tpu.concatenate %get3A_50, %get3A_55, %get3A_60, %max3A_45, %broadcast_in_dim3A_62 in 1 : vector<512x1xf32>, vector<512x1xf32>, vector<512x1xf32>, vector<512x128xf32>, vector<512x13xf32> -> vector<512x144xf32>
    %swap3A = arith.constant 0 : index
    %swap3A_63 = arith.constant 0 : index
    %swap3A_64 = arith.constant 0 : index
    %swap3A_65 = vector.load %arg10[%swap3A, %swap3A_63, %swap3A_64] : memref<1x512x144xf32, #tpu.memory_space<vmem>>, vector<1x512x144xf32>
    %swap3A_66 = vector.shape_cast %swap3A_65 : vector<1x512x144xf32> to vector<512x144xf32>
    %swap3A_67 = vector.shape_cast %concatenate3A : vector<512x144xf32> to vector<1x512x144xf32>
    tpu.vector_store %arg10[%swap3A, %swap3A_63, %swap3A_64], %swap3A_67 {strides = array<i32>} : memref<1x512x144xf32, #tpu.memory_space<vmem>>, vector<1x512x144xf32>,
    return
  }
  func.func @transform_0(%arg0: i32) -> (i32, i32, i32) {
    %c0_i32 = arith.constant 0 : i32
    %c0_i32_0 = arith.constant 0 : i32
    %c0_i32_1 = arith.constant 0 : i32
    return %arg0, %c0_i32, %c0_i32_0 : i32, i32, i32
  }
  func.func @transform_1(%arg0: i32) -> (i32, i32, i32) {
    %c0_i32 = arith.constant 0 : i32
    %c0_i32_0 = arith.constant 0 : i32
    %c0_i32_1 = arith.constant 0 : i32
    return %arg0, %c0_i32, %c0_i32_0 : i32, i32, i32
  }
  func.func @transform_2(%arg0: i32) -> (i32, i32) {
    %c0_i32 = arith.constant 0 : i32
    %c0_i32_0 = arith.constant 0 : i32
    %c0_i32_1 = arith.constant 0 : i32
    return %c0_i32, %c0_i32_0 : i32, i32
  }
  func.func @transform_3(%arg0: i32) -> (i32, i32) {
    %c0_i32 = arith.constant 0 : i32
    %c0_i32_0 = arith.constant 0 : i32
    %c0_i32_1 = arith.constant 0 : i32
    return %c0_i32, %c0_i32_0 : i32, i32
  }
  func.func @transform_4(%arg0: i32) -> (i32, i32) {
    %c0_i32 = arith.constant 0 : i32
    %c0_i32_0 = arith.constant 0 : i32
    %c0_i32_1 = arith.constant 0 : i32
    return %c0_i32, %c0_i32_0 : i32, i32
  }
  func.func @transform_5(%arg0: i32) -> (i32, i32) {
    %c0_i32 = arith.constant 0 : i32
    %c0_i32_0 = arith.constant 0 : i32
    %c0_i32_1 = arith.constant 0 : i32
    return %c0_i32, %c0_i32_0 : i32, i32
  }
  func.func @transform_6(%arg0: i32) -> (i32, i32, i32) {
    %c0_i32 = arith.constant 0 : i32
    %c0_i32_0 = arith.constant 0 : i32
    %c0_i32_1 = arith.constant 0 : i32
    return %arg0, %c0_i32, %c0_i32_0 : i32, i32, i32
  }
  func.func @transform_7(%arg0: i32) -> (i32, i32, i32) {
    %c0_i32 = arith.constant 0 : i32
    %c0_i32_0 = arith.constant 0 : i32
    %c0_i32_1 = arith.constant 0 : i32
    return %arg0, %c0_i32, %c0_i32_0 : i32, i32, i32
  }
  func.func @transform_8(%arg0: i32) -> (i32, i32, i32) {
    %c0_i32 = arith.constant 0 : i32
    %c0_i32_0 = arith.constant 0 : i32
    %c0_i32_1 = arith.constant 0 : i32
    return %arg0, %c0_i32, %c0_i32_0 : i32, i32, i32
  }
  func.func @transform_9(%arg0: i32) -> (i32, i32, i32) {
    %c0_i32 = arith.constant 0 : i32
    %c0_i32_0 = arith.constant 0 : i32
    %c0_i32_1 = arith.constant 0 : i32
    return %arg0, %c0_i32, %c0_i32_0 : i32, i32, i32
  }
}

module attributes {stable_mosaic.version = 14 : i64} {
  func.func @_mlp_body(%arg0: i32, %arg1: memref<1x8192x144xf32, #tpu.memory_space<vmem>>, %arg2: memref<144x256xf32, #tpu.memory_space<vmem>>, %arg3: memref<1x256xf32, #tpu.memory_space<vmem>>, %arg4: memref<1x128x1xf32, #tpu.memory_space<vmem>>, %arg5: memref<1x128x1xf32, #tpu.memory_space<vmem>>, %arg6: memref<1x128x1xf32, #tpu.memory_space<vmem>>, %arg7: memref<1x128x256xf32, #tpu.memory_space<vmem>>, %arg8: memref<1x128x256xf32, #tpu.memory_space<vmem>>, %arg9: memref<1x256xf32, #tpu.memory_space<vmem>>, %arg10: memref<1x256xf32, #tpu.memory_space<vmem>>) attributes {dimension_semantics = [#tpu.dimension_semantics<arbitrary>], iteration_bounds = array<i64: 16>, scalar_prefetch = 0 : i64, scratch_operands = 0 : i64, tpu.core_type = #tpu.core_type<tc>, window_params = [{transform_indices = @transform_0, window_bounds = array<i64: 1, 8192, 144>}, {pipeline_mode = #tpu.pipeline_mode<synchronous>, transform_indices = @transform_1, window_bounds = array<i64: 144, 256>}, {pipeline_mode = #tpu.pipeline_mode<synchronous>, transform_indices = @transform_2, window_bounds = array<i64: 1, 256>}, {transform_indices = @transform_3, window_bounds = array<i64: 1, 128, 1>}, {transform_indices = @transform_4, window_bounds = array<i64: 1, 128, 1>}, {transform_indices = @transform_5, window_bounds = array<i64: 1, 128, 1>}, {transform_indices = @transform_6, window_bounds = array<i64: 1, 128, 256>}, {transform_indices = @transform_7, window_bounds = array<i64: 1, 128, 256>}, {pipeline_mode = #tpu.pipeline_mode<synchronous>, transform_indices = @transform_8, window_bounds = array<i64: 1, 256>}, {pipeline_mode = #tpu.pipeline_mode<synchronous>, transform_indices = @transform_9, window_bounds = array<i64: 1, 256>}]} {
    %get3A = arith.constant 0 : index
    %get3A_0 = arith.constant 0 : index
    %get3A_1 = arith.constant 0 : index
    %get3A_2 = vector.load %arg1[%get3A, %get3A_0, %get3A_1] : memref<1x8192x144xf32, #tpu.memory_space<vmem>>, vector<1x8192x144xf32>
    %get3A_3 = vector.shape_cast %get3A_2 : vector<1x8192x144xf32> to vector<8192x144xf32>
    %reshape3A = vector.shape_cast %get3A_3 : vector<8192x144xf32> to vector<128x64x144xf32>
    %get3A_4 = arith.constant 0 : index
    %get3A_5 = arith.constant 0 : index
    %get3A_6 = arith.constant 0 : index
    %get3A_7 = vector.load %arg4[%get3A_4, %get3A_5, %get3A_6] : memref<1x128x1xf32, #tpu.memory_space<vmem>>, vector<1x128x1xf32>
    %get3A_8 = vector.shape_cast %get3A_7 : vector<1x128x1xf32> to vector<128x1xf32>
    %get3A_9 = arith.constant 0 : index
    %get3A_10 = arith.constant 0 : index
    %get3A_11 = arith.constant 0 : index
    %get3A_12 = vector.load %arg5[%get3A_9, %get3A_10, %get3A_11] : memref<1x128x1xf32, #tpu.memory_space<vmem>>, vector<1x128x1xf32>
    %get3A_13 = vector.shape_cast %get3A_12 : vector<1x128x1xf32> to vector<128x1xf32>
    %get3A_14 = arith.constant 0 : index
    %get3A_15 = arith.constant 0 : index
    %get3A_16 = arith.constant 0 : index
    %get3A_17 = vector.load %arg6[%get3A_14, %get3A_15, %get3A_16] : memref<1x128x1xf32, #tpu.memory_space<vmem>>, vector<1x128x1xf32>
    %get3A_18 = vector.shape_cast %get3A_17 : vector<1x128x1xf32> to vector<128x1xf32>
    %broadcast_in_dim3A = arith.constant 0.000000e+00 : f32
    %broadcast_in_dim3A_19 = vector.broadcast %broadcast_in_dim3A : f32 to vector<128x141xf32>
    %concatenate3A = tpu.concatenate %get3A_8, %get3A_13, %get3A_18, %broadcast_in_dim3A_19 in 1 : vector<128x1xf32>, vector<128x1xf32>, vector<128x1xf32>, vector<128x141xf32> -> vector<128x144xf32>
    %broadcast_in_dim3A_20 = vector.shape_cast %concatenate3A : vector<128x144xf32> to vector<128x1x144xf32>
    %sub3A = vector.broadcast %broadcast_in_dim3A_20 : vector<128x1x144xf32> to vector<128x64x144xf32>
    %sub3A_21 = arith.subf %reshape3A, %sub3A : vector<128x64x144xf32>
    %convert_element_type3A = arith.truncf %sub3A_21 : vector<128x64x144xf32> to vector<128x64x144xbf16>
    %reshape3A_22 = vector.shape_cast %convert_element_type3A : vector<128x64x144xbf16> to vector<8192x144xbf16>
    %get3A_23 = arith.constant 0 : index
    %get3A_24 = arith.constant 0 : index
    %get3A_25 = vector.load %arg2[%get3A_23, %get3A_24] : memref<144x256xf32, #tpu.memory_space<vmem>>, vector<144x256xf32>
    %convert_element_type3A_26 = arith.truncf %get3A_25 : vector<144x256xf32> to vector<144x256xbf16>
    %dot_general3A = arith.constant dense<0.000000e+00> : vector<8192x256xf32>
    %dot_general3A_27 = tpu.matmul %reshape3A_22, %convert_element_type3A_26, %dot_general3A {dimension_numbers = #tpu.dot_dimension_numbers<[1], [0], [0], [1], [0, 0, 1, 1], [], []>, transpose_lhs_hint = false} : vector<8192x144xbf16>, vector<144x256xbf16>, vector<8192x256xf32> -> vector<8192x256xf32>
    %reshape3A_28 = vector.shape_cast %dot_general3A_27 : vector<8192x256xf32> to vector<128x64x256xf32>
    %get3A_29 = arith.constant 0 : index
    %get3A_30 = arith.constant 0 : index
    %get3A_31 = vector.load %arg3[%get3A_29, %get3A_30] : memref<1x256xf32, #tpu.memory_space<vmem>>, vector<1x256xf32>
    %broadcast_in_dim3A_32 = vector.shape_cast %get3A_31 : vector<1x256xf32> to vector<1x1x256xf32>
    %add3A = vector.broadcast %broadcast_in_dim3A_32 : vector<1x1x256xf32> to vector<128x64x256xf32>
    %add3A_33 = arith.addf %reshape3A_28, %add3A : vector<128x64x256xf32>
    %reduce_max3A = arith.constant dense<0xFF800000> : vector<128x256xf32>
    %reduce_max3A_34 = vector.multi_reduction <maximumf>, %add3A_33, %reduce_max3A [1] : vector<128x64x256xf32> to vector<128x256xf32>
    %swap3A = arith.constant 0 : index
    %swap3A_35 = arith.constant 0 : index
    %swap3A_36 = arith.constant 0 : index
    %swap3A_37 = vector.load %arg7[%swap3A, %swap3A_35, %swap3A_36] : memref<1x128x256xf32, #tpu.memory_space<vmem>>, vector<1x128x256xf32>
    %swap3A_38 = vector.shape_cast %swap3A_37 : vector<1x128x256xf32> to vector<128x256xf32>
    %swap3A_39 = vector.shape_cast %reduce_max3A_34 : vector<128x256xf32> to vector<1x128x256xf32>
    tpu.vector_store %arg7[%swap3A, %swap3A_35, %swap3A_36], %swap3A_39 {strides = array<i32>} : memref<1x128x256xf32, #tpu.memory_space<vmem>>, vector<1x128x256xf32>,
    %reduce_min3A = arith.constant dense<0x7F800000> : vector<128x256xf32>
    %reduce_min3A_40 = vector.multi_reduction <minimumf>, %add3A_33, %reduce_min3A [1] : vector<128x64x256xf32> to vector<128x256xf32>
    %swap3A_41 = arith.constant 0 : index
    %swap3A_42 = arith.constant 0 : index
    %swap3A_43 = arith.constant 0 : index
    %swap3A_44 = vector.load %arg8[%swap3A_41, %swap3A_42, %swap3A_43] : memref<1x128x256xf32, #tpu.memory_space<vmem>>, vector<1x128x256xf32>
    %swap3A_45 = vector.shape_cast %swap3A_44 : vector<1x128x256xf32> to vector<128x256xf32>
    %swap3A_46 = vector.shape_cast %reduce_min3A_40 : vector<128x256xf32> to vector<1x128x256xf32>
    tpu.vector_store %arg8[%swap3A_41, %swap3A_42, %swap3A_43], %swap3A_46 {strides = array<i32>} : memref<1x128x256xf32, #tpu.memory_space<vmem>>, vector<1x128x256xf32>,
    %reduce_sum3A = arith.constant dense<0.000000e+00> : vector<128x256xf32>
    %reduce_sum3A_47 = vector.multi_reduction <add>, %add3A_33, %reduce_sum3A [1] : vector<128x64x256xf32> to vector<128x256xf32>
    %reduce_sum3A_48 = arith.constant dense<0.000000e+00> : vector<256xf32>
    %reduce_sum3A_49 = vector.multi_reduction <add>, %reduce_sum3A_47, %reduce_sum3A_48 [0] : vector<128x256xf32> to vector<256xf32>
    %broadcast_in_dim3A_50 = vector.shape_cast %reduce_sum3A_49 : vector<256xf32> to vector<1x256xf32>
    %mul3A = arith.mulf %add3A_33, %add3A_33 : vector<128x64x256xf32>
    %reduce_sum3A_51 = arith.constant dense<0.000000e+00> : vector<128x256xf32>
    %reduce_sum3A_52 = vector.multi_reduction <add>, %mul3A, %reduce_sum3A_51 [1] : vector<128x64x256xf32> to vector<128x256xf32>
    %reduce_sum3A_53 = arith.constant dense<0.000000e+00> : vector<256xf32>
    %reduce_sum3A_54 = vector.multi_reduction <add>, %reduce_sum3A_52, %reduce_sum3A_53 [0] : vector<128x256xf32> to vector<256xf32>
    %broadcast_in_dim3A_55 = vector.shape_cast %reduce_sum3A_54 : vector<256xf32> to vector<1x256xf32>
    %eq3A = arith.constant 0 : i32
    %eq3A_56 = arith.cmpi eq, %arg0, %eq3A : i32
    %convert_element_type3A_57 = arith.extui %eq3A_56 : i1 to i32
    %cond3A = arith.constant 0 : i32
    %cond3A_58 = arith.cmpi ne, %convert_element_type3A_57, %cond3A : i32
    scf.if %cond3A_58 {
      %broadcast_in_dim3A_73 = arith.constant 0.000000e+00 : f32
      %broadcast_in_dim3A_74 = vector.broadcast %broadcast_in_dim3A_73 : f32 to vector<1x256xf32>
      %swap3A_75 = arith.constant 0 : index
      %swap3A_76 = arith.constant 0 : index
      %swap3A_77 = vector.load %arg9[%swap3A_75, %swap3A_76] : memref<1x256xf32, #tpu.memory_space<vmem>>, vector<1x256xf32>
      tpu.vector_store %arg9[%swap3A_75, %swap3A_76], %broadcast_in_dim3A_74 {strides = array<i32>} : memref<1x256xf32, #tpu.memory_space<vmem>>, vector<1x256xf32>,
      %broadcast_in_dim3A_78 = arith.constant 0.000000e+00 : f32
      %broadcast_in_dim3A_79 = vector.broadcast %broadcast_in_dim3A_78 : f32 to vector<1x256xf32>
      %swap3A_80 = arith.constant 0 : index
      %swap3A_81 = arith.constant 0 : index
      %swap3A_82 = vector.load %arg10[%swap3A_80, %swap3A_81] : memref<1x256xf32, #tpu.memory_space<vmem>>, vector<1x256xf32>
      tpu.vector_store %arg10[%swap3A_80, %swap3A_81], %broadcast_in_dim3A_79 {strides = array<i32>} : memref<1x256xf32, #tpu.memory_space<vmem>>, vector<1x256xf32>,
    } else {
    }
    %get3A_59 = arith.constant 0 : index
    %get3A_60 = arith.constant 0 : index
    %get3A_61 = vector.load %arg9[%get3A_59, %get3A_60] : memref<1x256xf32, #tpu.memory_space<vmem>>, vector<1x256xf32>
    %add3A_62 = arith.addf %get3A_61, %broadcast_in_dim3A_50 : vector<1x256xf32>
    %swap3A_63 = arith.constant 0 : index
    %swap3A_64 = arith.constant 0 : index
    %swap3A_65 = vector.load %arg9[%swap3A_63, %swap3A_64] : memref<1x256xf32, #tpu.memory_space<vmem>>, vector<1x256xf32>
    tpu.vector_store %arg9[%swap3A_63, %swap3A_64], %add3A_62 {strides = array<i32>} : memref<1x256xf32, #tpu.memory_space<vmem>>, vector<1x256xf32>,
    %get3A_66 = arith.constant 0 : index
    %get3A_67 = arith.constant 0 : index
    %get3A_68 = vector.load %arg10[%get3A_66, %get3A_67] : memref<1x256xf32, #tpu.memory_space<vmem>>, vector<1x256xf32>
    %add3A_69 = arith.addf %get3A_68, %broadcast_in_dim3A_55 : vector<1x256xf32>
    %swap3A_70 = arith.constant 0 : index
    %swap3A_71 = arith.constant 0 : index
    %swap3A_72 = vector.load %arg10[%swap3A_70, %swap3A_71] : memref<1x256xf32, #tpu.memory_space<vmem>>, vector<1x256xf32>
    tpu.vector_store %arg10[%swap3A_70, %swap3A_71], %add3A_69 {strides = array<i32>} : memref<1x256xf32, #tpu.memory_space<vmem>>, vector<1x256xf32>,
    return
  }
  func.func @transform_0(%arg0: i32) -> (i32, i32, i32) {
    %c0_i32 = arith.constant 0 : i32
    %c0_i32_0 = arith.constant 0 : i32
    %c0_i32_1 = arith.constant 0 : i32
    return %arg0, %c0_i32, %c0_i32_0 : i32, i32, i32
  }
  func.func @transform_1(%arg0: i32) -> (i32, i32) {
    %c0_i32 = arith.constant 0 : i32
    %c0_i32_0 = arith.constant 0 : i32
    %c0_i32_1 = arith.constant 0 : i32
    return %c0_i32, %c0_i32_0 : i32, i32
  }
  func.func @transform_2(%arg0: i32) -> (i32, i32) {
    %c0_i32 = arith.constant 0 : i32
    %c0_i32_0 = arith.constant 0 : i32
    %c0_i32_1 = arith.constant 0 : i32
    return %c0_i32, %c0_i32_0 : i32, i32
  }
  func.func @transform_3(%arg0: i32) -> (i32, i32, i32) {
    %c0_i32 = arith.constant 0 : i32
    %c0_i32_0 = arith.constant 0 : i32
    %c0_i32_1 = arith.constant 0 : i32
    return %arg0, %c0_i32, %c0_i32_0 : i32, i32, i32
  }
  func.func @transform_4(%arg0: i32) -> (i32, i32, i32) {
    %c0_i32 = arith.constant 0 : i32
    %c0_i32_0 = arith.constant 0 : i32
    %c0_i32_1 = arith.constant 0 : i32
    return %arg0, %c0_i32, %c0_i32_0 : i32, i32, i32
  }
  func.func @transform_5(%arg0: i32) -> (i32, i32, i32) {
    %c0_i32 = arith.constant 0 : i32
    %c0_i32_0 = arith.constant 0 : i32
    %c0_i32_1 = arith.constant 0 : i32
    return %arg0, %c0_i32, %c0_i32_0 : i32, i32, i32
  }
  func.func @transform_6(%arg0: i32) -> (i32, i32, i32) {
    %c0_i32 = arith.constant 0 : i32
    %c0_i32_0 = arith.constant 0 : i32
    %c0_i32_1 = arith.constant 0 : i32
    return %arg0, %c0_i32, %c0_i32_0 : i32, i32, i32
  }
  func.func @transform_7(%arg0: i32) -> (i32, i32, i32) {
    %c0_i32 = arith.constant 0 : i32
    %c0_i32_0 = arith.constant 0 : i32
    %c0_i32_1 = arith.constant 0 : i32
    return %arg0, %c0_i32, %c0_i32_0 : i32, i32, i32
  }
  func.func @transform_8(%arg0: i32) -> (i32, i32) {
    %c0_i32 = arith.constant 0 : i32
    %c0_i32_0 = arith.constant 0 : i32
    %c0_i32_1 = arith.constant 0 : i32
    return %c0_i32, %c0_i32_0 : i32, i32
  }
  func.func @transform_9(%arg0: i32) -> (i32, i32) {
    %c0_i32 = arith.constant 0 : i32
    %c0_i32_0 = arith.constant 0 : i32
    %c0_i32_1 = arith.constant 0 : i32
    return %c0_i32, %c0_i32_0 : i32, i32
  }
}

module attributes {stable_mosaic.version = 14 : i64} {
  func.func @_bn_body(%arg0: i32, %arg1: memref<1x128x256xf32, #tpu.memory_space<vmem>>, %arg2: memref<1x128x256xf32, #tpu.memory_space<vmem>>, %arg3: memref<1x256xf32, #tpu.memory_space<vmem>>, %arg4: memref<1x256xf32, #tpu.memory_space<vmem>>, %arg5: memref<1x256xf32, #tpu.memory_space<vmem>>, %arg6: memref<1x256xf32, #tpu.memory_space<vmem>>, %arg7: memref<1x128x1xf32, #tpu.memory_space<vmem>>, %arg8: memref<1x128x1xf32, #tpu.memory_space<vmem>>, %arg9: memref<1x128x1xf32, #tpu.memory_space<vmem>>, %arg10: memref<1x128x272xf32, #tpu.memory_space<vmem>>) attributes {dimension_semantics = [#tpu.dimension_semantics<arbitrary>], iteration_bounds = array<i64: 16>, scalar_prefetch = 0 : i64, scratch_operands = 0 : i64, tpu.core_type = #tpu.core_type<tc>, window_params = [{transform_indices = @transform_0, window_bounds = array<i64: 1, 128, 256>}, {transform_indices = @transform_1, window_bounds = array<i64: 1, 128, 256>}, {pipeline_mode = #tpu.pipeline_mode<synchronous>, transform_indices = @transform_2, window_bounds = array<i64: 1, 256>}, {pipeline_mode = #tpu.pipeline_mode<synchronous>, transform_indices = @transform_3, window_bounds = array<i64: 1, 256>}, {pipeline_mode = #tpu.pipeline_mode<synchronous>, transform_indices = @transform_4, window_bounds = array<i64: 1, 256>}, {pipeline_mode = #tpu.pipeline_mode<synchronous>, transform_indices = @transform_5, window_bounds = array<i64: 1, 256>}, {transform_indices = @transform_6, window_bounds = array<i64: 1, 128, 1>}, {transform_indices = @transform_7, window_bounds = array<i64: 1, 128, 1>}, {transform_indices = @transform_8, window_bounds = array<i64: 1, 128, 1>}, {transform_indices = @transform_9, window_bounds = array<i64: 1, 128, 272>}]} {
    %get3A = arith.constant 0 : index
    %get3A_0 = arith.constant 0 : index
    %get3A_1 = vector.load %arg3[%get3A, %get3A_0] : memref<1x256xf32, #tpu.memory_space<vmem>>, vector<1x256xf32>
    %mul3A = arith.constant 7.62939453E-6 : f32
    %mul3A_2 = vector.broadcast %mul3A : f32 to vector<1x256xf32>
    %mul3A_3 = arith.mulf %get3A_1, %mul3A_2 : vector<1x256xf32>
    %get3A_4 = arith.constant 0 : index
    %get3A_5 = arith.constant 0 : index
    %get3A_6 = vector.load %arg4[%get3A_4, %get3A_5] : memref<1x256xf32, #tpu.memory_space<vmem>>, vector<1x256xf32>
    %mul3A_7 = arith.constant 7.62939453E-6 : f32
    %mul3A_8 = vector.broadcast %mul3A_7 : f32 to vector<1x256xf32>
    %mul3A_9 = arith.mulf %get3A_6, %mul3A_8 : vector<1x256xf32>
    %mul3A_10 = arith.mulf %mul3A_3, %mul3A_3 : vector<1x256xf32>
    %sub3A = arith.subf %mul3A_9, %mul3A_10 : vector<1x256xf32>
    %max3A = arith.constant 0.000000e+00 : f32
    %max3A_11 = vector.broadcast %max3A : f32 to vector<1x256xf32>
    %max3A_12 = arith.maximumf %sub3A, %max3A_11 : vector<1x256xf32>
    %add3A = arith.constant 9.99999974E-6 : f32
    %add3A_13 = vector.broadcast %add3A : f32 to vector<1x256xf32>
    %add3A_14 = arith.addf %max3A_12, %add3A_13 : vector<1x256xf32>
    %sqrt3A = math.sqrt %add3A_14 : vector<1x256xf32>
    %div3A = arith.constant 1.000000e+00 : f32
    %div3A_15 = vector.broadcast %div3A : f32 to vector<1x256xf32>
    %div3A_16 = arith.divf %div3A_15, %sqrt3A : vector<1x256xf32>
    %get3A_17 = arith.constant 0 : index
    %get3A_18 = arith.constant 0 : index
    %get3A_19 = vector.load %arg5[%get3A_17, %get3A_18] : memref<1x256xf32, #tpu.memory_space<vmem>>, vector<1x256xf32>
    %mul3A_20 = arith.mulf %div3A_16, %get3A_19 : vector<1x256xf32>
    %get3A_21 = arith.constant 0 : index
    %get3A_22 = arith.constant 0 : index
    %get3A_23 = vector.load %arg6[%get3A_21, %get3A_22] : memref<1x256xf32, #tpu.memory_space<vmem>>, vector<1x256xf32>
    %mul3A_24 = arith.mulf %mul3A_3, %mul3A_20 : vector<1x256xf32>
    %sub3A_25 = arith.subf %get3A_23, %mul3A_24 : vector<1x256xf32>
    %ge3A = arith.constant 0.000000e+00 : f32
    %ge3A_26 = vector.broadcast %ge3A : f32 to vector<1x256xf32>
    %ge3A_27 = arith.cmpf oge, %mul3A_20, %ge3A_26 : vector<1x256xf32>
    %get3A_28 = arith.constant 0 : index
    %get3A_29 = arith.constant 0 : index
    %get3A_30 = arith.constant 0 : index
    %get3A_31 = vector.load %arg1[%get3A_28, %get3A_29, %get3A_30] : memref<1x128x256xf32, #tpu.memory_space<vmem>>, vector<1x128x256xf32>
    %get3A_32 = vector.shape_cast %get3A_31 : vector<1x128x256xf32> to vector<128x256xf32>
    %get3A_33 = arith.constant 0 : index
    %get3A_34 = arith.constant 0 : index
    %get3A_35 = arith.constant 0 : index
    %get3A_36 = vector.load %arg2[%get3A_33, %get3A_34, %get3A_35] : memref<1x128x256xf32, #tpu.memory_space<vmem>>, vector<1x128x256xf32>
    %get3A_37 = vector.shape_cast %get3A_36 : vector<1x128x256xf32> to vector<128x256xf32>
    %broadcast_in_dim3A = vector.shape_cast %ge3A_27 : vector<1x256xi1> to vector<1x256xi1>
    %broadcast_in_dim3A_38 = vector.broadcast %broadcast_in_dim3A : vector<1x256xi1> to vector<128x256xi1>
    %select_n3A = arith.select %broadcast_in_dim3A_38, %get3A_32, %get3A_37 : vector<128x256xi1>, vector<128x256xf32>
    %mul3A_39 = vector.broadcast %mul3A_20 : vector<1x256xf32> to vector<128x256xf32>
    %mul3A_40 = arith.mulf %select_n3A, %mul3A_39 : vector<128x256xf32>
    %add3A_41 = vector.broadcast %sub3A_25 : vector<1x256xf32> to vector<128x256xf32>
    %add3A_42 = arith.addf %mul3A_40, %add3A_41 : vector<128x256xf32>
    %max3A_43 = arith.constant 0.000000e+00 : f32
    %max3A_44 = vector.broadcast %max3A_43 : f32 to vector<128x256xf32>
    %max3A_45 = arith.maximumf %add3A_42, %max3A_44 : vector<128x256xf32>
    %get3A_46 = arith.constant 0 : index
    %get3A_47 = arith.constant 0 : index
    %get3A_48 = arith.constant 0 : index
    %get3A_49 = vector.load %arg7[%get3A_46, %get3A_47, %get3A_48] : memref<1x128x1xf32, #tpu.memory_space<vmem>>, vector<1x128x1xf32>
    %get3A_50 = vector.shape_cast %get3A_49 : vector<1x128x1xf32> to vector<128x1xf32>
    %get3A_51 = arith.constant 0 : index
    %get3A_52 = arith.constant 0 : index
    %get3A_53 = arith.constant 0 : index
    %get3A_54 = vector.load %arg8[%get3A_51, %get3A_52, %get3A_53] : memref<1x128x1xf32, #tpu.memory_space<vmem>>, vector<1x128x1xf32>
    %get3A_55 = vector.shape_cast %get3A_54 : vector<1x128x1xf32> to vector<128x1xf32>
    %get3A_56 = arith.constant 0 : index
    %get3A_57 = arith.constant 0 : index
    %get3A_58 = arith.constant 0 : index
    %get3A_59 = vector.load %arg9[%get3A_56, %get3A_57, %get3A_58] : memref<1x128x1xf32, #tpu.memory_space<vmem>>, vector<1x128x1xf32>
    %get3A_60 = vector.shape_cast %get3A_59 : vector<1x128x1xf32> to vector<128x1xf32>
    %broadcast_in_dim3A_61 = arith.constant 0.000000e+00 : f32
    %broadcast_in_dim3A_62 = vector.broadcast %broadcast_in_dim3A_61 : f32 to vector<128x13xf32>
    %concatenate3A = tpu.concatenate %get3A_50, %get3A_55, %get3A_60, %max3A_45, %broadcast_in_dim3A_62 in 1 : vector<128x1xf32>, vector<128x1xf32>, vector<128x1xf32>, vector<128x256xf32>, vector<128x13xf32> -> vector<128x272xf32>
    %swap3A = arith.constant 0 : index
    %swap3A_63 = arith.constant 0 : index
    %swap3A_64 = arith.constant 0 : index
    %swap3A_65 = vector.load %arg10[%swap3A, %swap3A_63, %swap3A_64] : memref<1x128x272xf32, #tpu.memory_space<vmem>>, vector<1x128x272xf32>
    %swap3A_66 = vector.shape_cast %swap3A_65 : vector<1x128x272xf32> to vector<128x272xf32>
    %swap3A_67 = vector.shape_cast %concatenate3A : vector<128x272xf32> to vector<1x128x272xf32>
    tpu.vector_store %arg10[%swap3A, %swap3A_63, %swap3A_64], %swap3A_67 {strides = array<i32>} : memref<1x128x272xf32, #tpu.memory_space<vmem>>, vector<1x128x272xf32>,
    return
  }
  func.func @transform_0(%arg0: i32) -> (i32, i32, i32) {
    %c0_i32 = arith.constant 0 : i32
    %c0_i32_0 = arith.constant 0 : i32
    %c0_i32_1 = arith.constant 0 : i32
    return %arg0, %c0_i32, %c0_i32_0 : i32, i32, i32
  }
  func.func @transform_1(%arg0: i32) -> (i32, i32, i32) {
    %c0_i32 = arith.constant 0 : i32
    %c0_i32_0 = arith.constant 0 : i32
    %c0_i32_1 = arith.constant 0 : i32
    return %arg0, %c0_i32, %c0_i32_0 : i32, i32, i32
  }
  func.func @transform_2(%arg0: i32) -> (i32, i32) {
    %c0_i32 = arith.constant 0 : i32
    %c0_i32_0 = arith.constant 0 : i32
    %c0_i32_1 = arith.constant 0 : i32
    return %c0_i32, %c0_i32_0 : i32, i32
  }
  func.func @transform_3(%arg0: i32) -> (i32, i32) {
    %c0_i32 = arith.constant 0 : i32
    %c0_i32_0 = arith.constant 0 : i32
    %c0_i32_1 = arith.constant 0 : i32
    return %c0_i32, %c0_i32_0 : i32, i32
  }
  func.func @transform_4(%arg0: i32) -> (i32, i32) {
    %c0_i32 = arith.constant 0 : i32
    %c0_i32_0 = arith.constant 0 : i32
    %c0_i32_1 = arith.constant 0 : i32
    return %c0_i32, %c0_i32_0 : i32, i32
  }
  func.func @transform_5(%arg0: i32) -> (i32, i32) {
    %c0_i32 = arith.constant 0 : i32
    %c0_i32_0 = arith.constant 0 : i32
    %c0_i32_1 = arith.constant 0 : i32
    return %c0_i32, %c0_i32_0 : i32, i32
  }
  func.func @transform_6(%arg0: i32) -> (i32, i32, i32) {
    %c0_i32 = arith.constant 0 : i32
    %c0_i32_0 = arith.constant 0 : i32
    %c0_i32_1 = arith.constant 0 : i32
    return %arg0, %c0_i32, %c0_i32_0 : i32, i32, i32
  }
  func.func @transform_7(%arg0: i32) -> (i32, i32, i32) {
    %c0_i32 = arith.constant 0 : i32
    %c0_i32_0 = arith.constant 0 : i32
    %c0_i32_1 = arith.constant 0 : i32
    return %arg0, %c0_i32, %c0_i32_0 : i32, i32, i32
  }
  func.func @transform_8(%arg0: i32) -> (i32, i32, i32) {
    %c0_i32 = arith.constant 0 : i32
    %c0_i32_0 = arith.constant 0 : i32
    %c0_i32_1 = arith.constant 0 : i32
    return %arg0, %c0_i32, %c0_i32_0 : i32, i32, i32
  }
  func.func @transform_9(%arg0: i32) -> (i32, i32, i32) {
    %c0_i32 = arith.constant 0 : i32
    %c0_i32_0 = arith.constant 0 : i32
    %c0_i32_1 = arith.constant 0 : i32
    return %arg0, %c0_i32, %c0_i32_0 : i32, i32, i32
  }
}

module attributes {stable_mosaic.version = 14 : i64} {
  func.func @_mlp_body(%arg0: i32, %arg1: memref<1x128x272xf32, #tpu.memory_space<vmem>>, %arg2: memref<272x512xf32, #tpu.memory_space<vmem>>, %arg3: memref<1x512xf32, #tpu.memory_space<vmem>>, %arg4: memref<1x1x1xf32, #tpu.memory_space<vmem>>, %arg5: memref<1x1x1xf32, #tpu.memory_space<vmem>>, %arg6: memref<1x1x1xf32, #tpu.memory_space<vmem>>, %arg7: memref<1x1x512xf32, #tpu.memory_space<vmem>>, %arg8: memref<1x1x512xf32, #tpu.memory_space<vmem>>, %arg9: memref<1x512xf32, #tpu.memory_space<vmem>>, %arg10: memref<1x512xf32, #tpu.memory_space<vmem>>) attributes {dimension_semantics = [#tpu.dimension_semantics<arbitrary>], iteration_bounds = array<i64: 16>, scalar_prefetch = 0 : i64, scratch_operands = 0 : i64, tpu.core_type = #tpu.core_type<tc>, window_params = [{transform_indices = @transform_0, window_bounds = array<i64: 1, 128, 272>}, {pipeline_mode = #tpu.pipeline_mode<synchronous>, transform_indices = @transform_1, window_bounds = array<i64: 272, 512>}, {pipeline_mode = #tpu.pipeline_mode<synchronous>, transform_indices = @transform_2, window_bounds = array<i64: 1, 512>}, {transform_indices = @transform_3, window_bounds = array<i64: 1, 1, 1>}, {transform_indices = @transform_4, window_bounds = array<i64: 1, 1, 1>}, {transform_indices = @transform_5, window_bounds = array<i64: 1, 1, 1>}, {transform_indices = @transform_6, window_bounds = array<i64: 1, 1, 512>}, {transform_indices = @transform_7, window_bounds = array<i64: 1, 1, 512>}, {pipeline_mode = #tpu.pipeline_mode<synchronous>, transform_indices = @transform_8, window_bounds = array<i64: 1, 512>}, {pipeline_mode = #tpu.pipeline_mode<synchronous>, transform_indices = @transform_9, window_bounds = array<i64: 1, 512>}]} {
    %get3A = arith.constant 0 : index
    %get3A_0 = arith.constant 0 : index
    %get3A_1 = arith.constant 0 : index
    %get3A_2 = vector.load %arg1[%get3A, %get3A_0, %get3A_1] : memref<1x128x272xf32, #tpu.memory_space<vmem>>, vector<1x128x272xf32>
    %get3A_3 = vector.shape_cast %get3A_2 : vector<1x128x272xf32> to vector<128x272xf32>
    %reshape3A = vector.shape_cast %get3A_3 : vector<128x272xf32> to vector<1x128x272xf32>
    %convert_element_type3A = arith.truncf %reshape3A : vector<1x128x272xf32> to vector<1x128x272xbf16>
    %reshape3A_4 = vector.shape_cast %convert_element_type3A : vector<1x128x272xbf16> to vector<128x272xbf16>
    %get3A_5 = arith.constant 0 : index
    %get3A_6 = arith.constant 0 : index
    %get3A_7 = vector.load %arg2[%get3A_5, %get3A_6] : memref<272x512xf32, #tpu.memory_space<vmem>>, vector<272x512xf32>
    %convert_element_type3A_8 = arith.truncf %get3A_7 : vector<272x512xf32> to vector<272x512xbf16>
    %dot_general3A = arith.constant dense<0.000000e+00> : vector<128x512xf32>
    %dot_general3A_9 = tpu.matmul %reshape3A_4, %convert_element_type3A_8, %dot_general3A {dimension_numbers = #tpu.dot_dimension_numbers<[1], [0], [0], [1], [0, 0, 1, 1], [], []>, transpose_lhs_hint = false} : vector<128x272xbf16>, vector<272x512xbf16>, vector<128x512xf32> -> vector<128x512xf32>
    %reshape3A_10 = vector.shape_cast %dot_general3A_9 : vector<128x512xf32> to vector<1x128x512xf32>
    %get3A_11 = arith.constant 0 : index
    %get3A_12 = arith.constant 0 : index
    %get3A_13 = vector.load %arg3[%get3A_11, %get3A_12] : memref<1x512xf32, #tpu.memory_space<vmem>>, vector<1x512xf32>
    %broadcast_in_dim3A = vector.shape_cast %get3A_13 : vector<1x512xf32> to vector<1x1x512xf32>
    %add3A = vector.broadcast %broadcast_in_dim3A : vector<1x1x512xf32> to vector<1x128x512xf32>
    %add3A_14 = arith.addf %reshape3A_10, %add3A : vector<1x128x512xf32>
    %reduce_max3A = arith.constant dense<0xFF800000> : vector<1x512xf32>
    %reduce_max3A_15 = vector.multi_reduction <maximumf>, %add3A_14, %reduce_max3A [1] : vector<1x128x512xf32> to vector<1x512xf32>
    %swap3A = arith.constant 0 : index
    %swap3A_16 = arith.constant 0 : index
    %swap3A_17 = arith.constant 0 : index
    %swap3A_18 = vector.load %arg7[%swap3A, %swap3A_16, %swap3A_17] : memref<1x1x512xf32, #tpu.memory_space<vmem>>, vector<1x1x512xf32>
    %swap3A_19 = vector.shape_cast %swap3A_18 : vector<1x1x512xf32> to vector<1x512xf32>
    %swap3A_20 = vector.shape_cast %reduce_max3A_15 : vector<1x512xf32> to vector<1x1x512xf32>
    tpu.vector_store %arg7[%swap3A, %swap3A_16, %swap3A_17], %swap3A_20 {strides = array<i32>} : memref<1x1x512xf32, #tpu.memory_space<vmem>>, vector<1x1x512xf32>,
    %reduce_min3A = arith.constant dense<0x7F800000> : vector<1x512xf32>
    %reduce_min3A_21 = vector.multi_reduction <minimumf>, %add3A_14, %reduce_min3A [1] : vector<1x128x512xf32> to vector<1x512xf32>
    %swap3A_22 = arith.constant 0 : index
    %swap3A_23 = arith.constant 0 : index
    %swap3A_24 = arith.constant 0 : index
    %swap3A_25 = vector.load %arg8[%swap3A_22, %swap3A_23, %swap3A_24] : memref<1x1x512xf32, #tpu.memory_space<vmem>>, vector<1x1x512xf32>
    %swap3A_26 = vector.shape_cast %swap3A_25 : vector<1x1x512xf32> to vector<1x512xf32>
    %swap3A_27 = vector.shape_cast %reduce_min3A_21 : vector<1x512xf32> to vector<1x1x512xf32>
    tpu.vector_store %arg8[%swap3A_22, %swap3A_23, %swap3A_24], %swap3A_27 {strides = array<i32>} : memref<1x1x512xf32, #tpu.memory_space<vmem>>, vector<1x1x512xf32>,
    %reduce_sum3A = arith.constant dense<0.000000e+00> : vector<1x512xf32>
    %reduce_sum3A_28 = vector.multi_reduction <add>, %add3A_14, %reduce_sum3A [1] : vector<1x128x512xf32> to vector<1x512xf32>
    %reduce_sum3A_29 = arith.constant dense<0.000000e+00> : vector<512xf32>
    %reduce_sum3A_30 = vector.multi_reduction <add>, %reduce_sum3A_28, %reduce_sum3A_29 [0] : vector<1x512xf32> to vector<512xf32>
    %broadcast_in_dim3A_31 = vector.shape_cast %reduce_sum3A_30 : vector<512xf32> to vector<1x512xf32>
    %mul3A = arith.mulf %add3A_14, %add3A_14 : vector<1x128x512xf32>
    %reduce_sum3A_32 = arith.constant dense<0.000000e+00> : vector<1x512xf32>
    %reduce_sum3A_33 = vector.multi_reduction <add>, %mul3A, %reduce_sum3A_32 [1] : vector<1x128x512xf32> to vector<1x512xf32>
    %reduce_sum3A_34 = arith.constant dense<0.000000e+00> : vector<512xf32>
    %reduce_sum3A_35 = vector.multi_reduction <add>, %reduce_sum3A_33, %reduce_sum3A_34 [0] : vector<1x512xf32> to vector<512xf32>
    %broadcast_in_dim3A_36 = vector.shape_cast %reduce_sum3A_35 : vector<512xf32> to vector<1x512xf32>
    %eq3A = arith.constant 0 : i32
    %eq3A_37 = arith.cmpi eq, %arg0, %eq3A : i32
    %convert_element_type3A_38 = arith.extui %eq3A_37 : i1 to i32
    %cond3A = arith.constant 0 : i32
    %cond3A_39 = arith.cmpi ne, %convert_element_type3A_38, %cond3A : i32
    scf.if %cond3A_39 {
      %broadcast_in_dim3A_54 = arith.constant 0.000000e+00 : f32
      %broadcast_in_dim3A_55 = vector.broadcast %broadcast_in_dim3A_54 : f32 to vector<1x512xf32>
      %swap3A_56 = arith.constant 0 : index
      %swap3A_57 = arith.constant 0 : index
      %swap3A_58 = vector.load %arg9[%swap3A_56, %swap3A_57] : memref<1x512xf32, #tpu.memory_space<vmem>>, vector<1x512xf32>
      tpu.vector_store %arg9[%swap3A_56, %swap3A_57], %broadcast_in_dim3A_55 {strides = array<i32>} : memref<1x512xf32, #tpu.memory_space<vmem>>, vector<1x512xf32>,
      %broadcast_in_dim3A_59 = arith.constant 0.000000e+00 : f32
      %broadcast_in_dim3A_60 = vector.broadcast %broadcast_in_dim3A_59 : f32 to vector<1x512xf32>
      %swap3A_61 = arith.constant 0 : index
      %swap3A_62 = arith.constant 0 : index
      %swap3A_63 = vector.load %arg10[%swap3A_61, %swap3A_62] : memref<1x512xf32, #tpu.memory_space<vmem>>, vector<1x512xf32>
      tpu.vector_store %arg10[%swap3A_61, %swap3A_62], %broadcast_in_dim3A_60 {strides = array<i32>} : memref<1x512xf32, #tpu.memory_space<vmem>>, vector<1x512xf32>,
    } else {
    }
    %get3A_40 = arith.constant 0 : index
    %get3A_41 = arith.constant 0 : index
    %get3A_42 = vector.load %arg9[%get3A_40, %get3A_41] : memref<1x512xf32, #tpu.memory_space<vmem>>, vector<1x512xf32>
    %add3A_43 = arith.addf %get3A_42, %broadcast_in_dim3A_31 : vector<1x512xf32>
    %swap3A_44 = arith.constant 0 : index
    %swap3A_45 = arith.constant 0 : index
    %swap3A_46 = vector.load %arg9[%swap3A_44, %swap3A_45] : memref<1x512xf32, #tpu.memory_space<vmem>>, vector<1x512xf32>
    tpu.vector_store %arg9[%swap3A_44, %swap3A_45], %add3A_43 {strides = array<i32>} : memref<1x512xf32, #tpu.memory_space<vmem>>, vector<1x512xf32>,
    %get3A_47 = arith.constant 0 : index
    %get3A_48 = arith.constant 0 : index
    %get3A_49 = vector.load %arg10[%get3A_47, %get3A_48] : memref<1x512xf32, #tpu.memory_space<vmem>>, vector<1x512xf32>
    %add3A_50 = arith.addf %get3A_49, %broadcast_in_dim3A_36 : vector<1x512xf32>
    %swap3A_51 = arith.constant 0 : index
    %swap3A_52 = arith.constant 0 : index
    %swap3A_53 = vector.load %arg10[%swap3A_51, %swap3A_52] : memref<1x512xf32, #tpu.memory_space<vmem>>, vector<1x512xf32>
    tpu.vector_store %arg10[%swap3A_51, %swap3A_52], %add3A_50 {strides = array<i32>} : memref<1x512xf32, #tpu.memory_space<vmem>>, vector<1x512xf32>,
    return
  }
  func.func @transform_0(%arg0: i32) -> (i32, i32, i32) {
    %c0_i32 = arith.constant 0 : i32
    %c0_i32_0 = arith.constant 0 : i32
    %c0_i32_1 = arith.constant 0 : i32
    return %arg0, %c0_i32, %c0_i32_0 : i32, i32, i32
  }
  func.func @transform_1(%arg0: i32) -> (i32, i32) {
    %c0_i32 = arith.constant 0 : i32
    %c0_i32_0 = arith.constant 0 : i32
    %c0_i32_1 = arith.constant 0 : i32
    return %c0_i32, %c0_i32_0 : i32, i32
  }
  func.func @transform_2(%arg0: i32) -> (i32, i32) {
    %c0_i32 = arith.constant 0 : i32
    %c0_i32_0 = arith.constant 0 : i32
    %c0_i32_1 = arith.constant 0 : i32
    return %c0_i32, %c0_i32_0 : i32, i32
  }
  func.func @transform_3(%arg0: i32) -> (i32, i32, i32) {
    %c0_i32 = arith.constant 0 : i32
    %c0_i32_0 = arith.constant 0 : i32
    %c0_i32_1 = arith.constant 0 : i32
    return %arg0, %c0_i32, %c0_i32_0 : i32, i32, i32
  }
  func.func @transform_4(%arg0: i32) -> (i32, i32, i32) {
    %c0_i32 = arith.constant 0 : i32
    %c0_i32_0 = arith.constant 0 : i32
    %c0_i32_1 = arith.constant 0 : i32
    return %arg0, %c0_i32, %c0_i32_0 : i32, i32, i32
  }
  func.func @transform_5(%arg0: i32) -> (i32, i32, i32) {
    %c0_i32 = arith.constant 0 : i32
    %c0_i32_0 = arith.constant 0 : i32
    %c0_i32_1 = arith.constant 0 : i32
    return %arg0, %c0_i32, %c0_i32_0 : i32, i32, i32
  }
  func.func @transform_6(%arg0: i32) -> (i32, i32, i32) {
    %c0_i32 = arith.constant 0 : i32
    %c0_i32_0 = arith.constant 0 : i32
    %c0_i32_1 = arith.constant 0 : i32
    return %arg0, %c0_i32, %c0_i32_0 : i32, i32, i32
  }
  func.func @transform_7(%arg0: i32) -> (i32, i32, i32) {
    %c0_i32 = arith.constant 0 : i32
    %c0_i32_0 = arith.constant 0 : i32
    %c0_i32_1 = arith.constant 0 : i32
    return %arg0, %c0_i32, %c0_i32_0 : i32, i32, i32
  }
  func.func @transform_8(%arg0: i32) -> (i32, i32) {
    %c0_i32 = arith.constant 0 : i32
    %c0_i32_0 = arith.constant 0 : i32
    %c0_i32_1 = arith.constant 0 : i32
    return %c0_i32, %c0_i32_0 : i32, i32
  }
  func.func @transform_9(%arg0: i32) -> (i32, i32) {
    %c0_i32 = arith.constant 0 : i32
    %c0_i32_0 = arith.constant 0 : i32
    %c0_i32_1 = arith.constant 0 : i32
    return %c0_i32, %c0_i32_0 : i32, i32
  }
}

module attributes {stable_mosaic.version = 14 : i64} {
  func.func @_final_body(%arg0: memref<16x1x512xf32, #tpu.memory_space<vmem>>, %arg1: memref<16x1x512xf32, #tpu.memory_space<vmem>>, %arg2: memref<1x512xf32, #tpu.memory_space<vmem>>, %arg3: memref<1x512xf32, #tpu.memory_space<vmem>>, %arg4: memref<1x512xf32, #tpu.memory_space<vmem>>, %arg5: memref<1x512xf32, #tpu.memory_space<vmem>>, %arg6: memref<512x256xf32, #tpu.memory_space<vmem>>, %arg7: memref<1x256xf32, #tpu.memory_space<vmem>>, %arg8: memref<16x256xf32, #tpu.memory_space<vmem>>) attributes {dimension_semantics = [], scalar_prefetch = 0 : i64, scratch_operands = 0 : i64, tpu.core_type = #tpu.core_type<tc>} {
    %get3A = arith.constant 0 : index
    %get3A_0 = arith.constant 0 : index
    %get3A_1 = vector.load %arg2[%get3A, %get3A_0] : memref<1x512xf32, #tpu.memory_space<vmem>>, vector<1x512xf32>
    %mul3A = arith.constant 4.8828125E-4 : f32
    %mul3A_2 = vector.broadcast %mul3A : f32 to vector<1x512xf32>
    %mul3A_3 = arith.mulf %get3A_1, %mul3A_2 : vector<1x512xf32>
    %get3A_4 = arith.constant 0 : index
    %get3A_5 = arith.constant 0 : index
    %get3A_6 = vector.load %arg3[%get3A_4, %get3A_5] : memref<1x512xf32, #tpu.memory_space<vmem>>, vector<1x512xf32>
    %mul3A_7 = arith.constant 4.8828125E-4 : f32
    %mul3A_8 = vector.broadcast %mul3A_7 : f32 to vector<1x512xf32>
    %mul3A_9 = arith.mulf %get3A_6, %mul3A_8 : vector<1x512xf32>
    %mul3A_10 = arith.mulf %mul3A_3, %mul3A_3 : vector<1x512xf32>
    %sub3A = arith.subf %mul3A_9, %mul3A_10 : vector<1x512xf32>
    %max3A = arith.constant 0.000000e+00 : f32
    %max3A_11 = vector.broadcast %max3A : f32 to vector<1x512xf32>
    %max3A_12 = arith.maximumf %sub3A, %max3A_11 : vector<1x512xf32>
    %add3A = arith.constant 9.99999974E-6 : f32
    %add3A_13 = vector.broadcast %add3A : f32 to vector<1x512xf32>
    %add3A_14 = arith.addf %max3A_12, %add3A_13 : vector<1x512xf32>
    %sqrt3A = math.sqrt %add3A_14 : vector<1x512xf32>
    %div3A = arith.constant 1.000000e+00 : f32
    %div3A_15 = vector.broadcast %div3A : f32 to vector<1x512xf32>
    %div3A_16 = arith.divf %div3A_15, %sqrt3A : vector<1x512xf32>
    %get3A_17 = arith.constant 0 : index
    %get3A_18 = arith.constant 0 : index
    %get3A_19 = vector.load %arg4[%get3A_17, %get3A_18] : memref<1x512xf32, #tpu.memory_space<vmem>>, vector<1x512xf32>
    %mul3A_20 = arith.mulf %div3A_16, %get3A_19 : vector<1x512xf32>
    %get3A_21 = arith.constant 0 : index
    %get3A_22 = arith.constant 0 : index
    %get3A_23 = vector.load %arg5[%get3A_21, %get3A_22] : memref<1x512xf32, #tpu.memory_space<vmem>>, vector<1x512xf32>
    %mul3A_24 = arith.mulf %mul3A_3, %mul3A_20 : vector<1x512xf32>
    %sub3A_25 = arith.subf %get3A_23, %mul3A_24 : vector<1x512xf32>
    %ge3A = arith.constant 0.000000e+00 : f32
    %ge3A_26 = vector.broadcast %ge3A : f32 to vector<1x512xf32>
    %ge3A_27 = arith.cmpf oge, %mul3A_20, %ge3A_26 : vector<1x512xf32>
    %get3A_28 = arith.constant 0 : index
    %get3A_29 = arith.constant 0 : index
    %get3A_30 = arith.constant 0 : index
    %get3A_31 = vector.load %arg0[%get3A_28, %get3A_29, %get3A_30] : memref<16x1x512xf32, #tpu.memory_space<vmem>>, vector<16x1x512xf32>
    %get3A_32 = vector.shape_cast %get3A_31 : vector<16x1x512xf32> to vector<16x512xf32>
    %get3A_33 = arith.constant 0 : index
    %get3A_34 = arith.constant 0 : index
    %get3A_35 = arith.constant 0 : index
    %get3A_36 = vector.load %arg1[%get3A_33, %get3A_34, %get3A_35] : memref<16x1x512xf32, #tpu.memory_space<vmem>>, vector<16x1x512xf32>
    %get3A_37 = vector.shape_cast %get3A_36 : vector<16x1x512xf32> to vector<16x512xf32>
    %broadcast_in_dim3A = vector.shape_cast %ge3A_27 : vector<1x512xi1> to vector<1x512xi1>
    %broadcast_in_dim3A_38 = vector.broadcast %broadcast_in_dim3A : vector<1x512xi1> to vector<16x512xi1>
    %select_n3A = arith.select %broadcast_in_dim3A_38, %get3A_32, %get3A_37 : vector<16x512xi1>, vector<16x512xf32>
    %mul3A_39 = vector.broadcast %mul3A_20 : vector<1x512xf32> to vector<16x512xf32>
    %mul3A_40 = arith.mulf %select_n3A, %mul3A_39 : vector<16x512xf32>
    %add3A_41 = vector.broadcast %sub3A_25 : vector<1x512xf32> to vector<16x512xf32>
    %add3A_42 = arith.addf %mul3A_40, %add3A_41 : vector<16x512xf32>
    %max3A_43 = arith.constant 0.000000e+00 : f32
    %max3A_44 = vector.broadcast %max3A_43 : f32 to vector<16x512xf32>
    %max3A_45 = arith.maximumf %add3A_42, %max3A_44 : vector<16x512xf32>
    %convert_element_type3A = arith.truncf %max3A_45 : vector<16x512xf32> to vector<16x512xbf16>
    %get3A_46 = arith.constant 0 : index
    %get3A_47 = arith.constant 0 : index
    %get3A_48 = vector.load %arg6[%get3A_46, %get3A_47] : memref<512x256xf32, #tpu.memory_space<vmem>>, vector<512x256xf32>
    %convert_element_type3A_49 = arith.truncf %get3A_48 : vector<512x256xf32> to vector<512x256xbf16>
    %dot_general3A = arith.constant dense<0.000000e+00> : vector<16x256xf32>
    %dot_general3A_50 = tpu.matmul %convert_element_type3A, %convert_element_type3A_49, %dot_general3A {dimension_numbers = #tpu.dot_dimension_numbers<[1], [0], [0], [1], [0, 0, 1, 1], [], []>, transpose_lhs_hint = false} : vector<16x512xbf16>, vector<512x256xbf16>, vector<16x256xf32> -> vector<16x256xf32>
    %get3A_51 = arith.constant 0 : index
    %get3A_52 = arith.constant 0 : index
    %get3A_53 = vector.load %arg7[%get3A_51, %get3A_52] : memref<1x256xf32, #tpu.memory_space<vmem>>, vector<1x256xf32>
    %add3A_54 = vector.broadcast %get3A_53 : vector<1x256xf32> to vector<16x256xf32>
    %add3A_55 = arith.addf %dot_general3A_50, %add3A_54 : vector<16x256xf32>
    %swap3A = arith.constant 0 : index
    %swap3A_56 = arith.constant 0 : index
    %swap3A_57 = vector.load %arg8[%swap3A, %swap3A_56] : memref<16x256xf32, #tpu.memory_space<vmem>>, vector<16x256xf32>
    tpu.vector_store %arg8[%swap3A, %swap3A_56], %add3A_55 {strides = array<i32>} : memref<16x256xf32, #tpu.memory_space<vmem>>, vector<16x256xf32>,
    return
  }
}

</mosaic_0001>

<sc_bundles>
// kernel: kernel.14.cloned.1.call-start
scs
__scs_entry_jumppad:
0x0: {  	(pc) =	sbr.rel $0x88, $3  }
0x1: {  	(tag) =	ssettag $0x0;
	lr =	simm.s32 $0x1  }
0x2: {  	[smem:$0x3F92] =	sst lr;
	_ =	strace $0xD0000000  }
0x3: {  	_ = 	snop  }
0x4: {  	_ = 	snop  }
0x5: {  	_ = 	snop  }
0x6: {  	_ = 	snop  }
0x7: {  	_ = 	snop  }
__scs_overlays_trampoline_lowered:
0x8: {  	[smem:$0x3FA1] =	sst s0  }
0x9: {  	[smem:$0x3FA2] =	sst s1  }
0xa: {  	[smem:$0x3FA3] =	sst s2  }
0xb: {  	[smem:$0x3FA4] =	sst s3  }
0xc: {  	[smem:$0x3FA5] =	sst s4  }
0xd: {  	[smem:$0x3FA6] =	sst s5  }
0xe: {  	[smem:$0x3FA7] =	sst s6  }
0xf: {  	[smem:$0x3FA8] =	sst s7  }
0x10: {  	[smem:$0x3FA9] =	sst s8  }
0x11: {  	[smem:$0x3FAA] =	sst s9;
	s0 =	simm.s32 @!p0 $0x0  }
0x12: {  	s1 =	sld [smem:$0x3F90];
	s0 =	simm.s32 @p0 $0x1  }
0x13: {  	[smem:$0x3FAB] =	sst s0;
	s0 =	simm.s32 @!p1 $0x0  }
0x14: {  	s2 =	sld [smem:$0x3F8F];
	s0 =	simm.s32 @p1 $0x1  }
0x15: {  	[smem:$0x3FAC] =	sst s0;
	s0 =	simm.s32 @!p2 $0x0  }
0x16: {  	s3 =	sld [smem:$0x3FDB];
	s0 =	simm.s32 @p2 $0x1  }
0x17: {  	s4 =	simm.s32 $0x1BF5;
	[smem:$0x3FAE] =	sst s0  }
0x18: {  	s0 =	sld [smem:$0x3F91];
	_ =	swait.ge [sflag:s4], $0x0  }
0x19: {  	s7 =	sld [smem:$0x3F92]  }
0x1a: {  	s8 =	sadd.s32 $0xFFFFE003, lr  }
0x1b: {  	s9 =	sadd.s32 $0xFFFFFEF7, lr;
	s5 =	simm.s32 $0xFFFFFFFF;
	p2 =	slt.u32 s8, $0xFFFFF086  }
0x1c: {  	p1 =	slt.u32 s9, $0xF7A;
	s5 =	simm.s32 @!p2 $0x0  }
0x1d: {  	s5 =	simm.s32 @p1 $0x1;
	p0 =	seq.s32 s7, s2  }
0x1e: {  	s7 =	smul.u32 @!p0 $0xF7A, s2;
	p2 =	seq.s32 @!p0 s5, $0x0  }
0x1f: {  	s9 =	smul.u32 $0xF7A, s1;
	s8 =	simm.s32 @!p0 $0x1BF5;
	p2 =	por !p2, p0  }
0x20: {  	[sflag:s8] =	ssyncset.s32 @!p0 $0xFFFFF086;
	s6 =	sadd.s32 @!p0 s3, s7;
	s7 =	simm.s32 @!p0 $0x108  }
0x21: {  	s3 =	sadd.s32 s3, s9;
	s6 =	sadd.s32 @!p0 $0x88, s6;
	s7 =	simm.s32 @p2 $0x1082  }
0x22: {  	[simem:s7], [sflag:s8] =	dma.local @!p0 [hbm:s6], $0xF7A  }
0x23: {  	s9 =	sor.u32 $0xD0000000, s2;
	s6 =	simm.s32 $0x108;
	_ =	swait.ge @!p0 [sflag:s8], $0x0  }
0x24: {  	s3 =	sadd.s32 $0x88, s3;
	s6 =	simm.s32 @!p1 $0x1082;
	[sflag:s4] =	ssyncset.s32 $0xFFFFF086  }
0x25: {  	[simem:s6], [sflag:s4] =	dma.local [hbm:s3], $0xF7A  }
0x26: {  	[smem:$0x3F92] =	sst s1;
	(tag) =	ssettag s2;
	_ =	strace s9  }
0x27: {  	s1 =	sld [smem:$0x3FA2]  }
0x28: {  	s2 =	sld [smem:$0x3FA3]  }
0x29: {  	s4 =	sld [smem:$0x3FA5]  }
0x2a: {  	p0 =	seq.s32 s5, $0x0;
	s5 =	sld [smem:$0x3FA6]  }
0x2b: {  	s6 =	sld [smem:$0x3FA7]  }
0x2c: {  	s7 =	sld [smem:$0x3FA8]  }
0x2d: {  	s3 =	simm.s32 $0x108;
	s8 =	sld [smem:$0x3FA9]  }
0x2e: {  	s3 =	simm.s32 @!p0 $0x1082;
	s9 =	sld [smem:$0x3FAA]  }
0x2f: {  	lr =	sadd.s32 s0, s3;
	s0 =	sld [smem:$0x3FA1]  }
0x30: {  	s3 =	sld [smem:$0x3FA4]  }
0x31: {  	[smem:$0x3FAD] =	sst s10  }
0x32: {  	s10 =	sld [smem:$0x3FAB];
	_ =	sdelay $0x3  }
0x33: {  	p0 =	seq.s32 s10, $0x1;
	s10 =	sld [smem:$0x3FAD];
	_ =	sdelay $0x3  }
0x34: {  	[smem:$0x3FAD] =	sst s10  }
0x35: {  	s10 =	sld [smem:$0x3FAC];
	_ =	sdelay $0x3  }
0x36: {  	p1 =	seq.s32 s10, $0x1;
	s10 =	sld [smem:$0x3FAD];
	_ =	sdelay $0x3  }
0x37: {  	[smem:$0x3FAD] =	sst s10  }
0x38: {  	s10 =	sld [smem:$0x3FAE]  }
0x39: {  	_ = 	snop;
	(pc) =	sbr.ind lr, $3  }
0x3a: {  	_ = 	snop  }
0x3b: {  	_ = 	snop  }
0x3c: {  	p2 =	seq.s32 s10, $0x1;
	s10 =	sld [smem:$0x3FAD]  }
0x3d: {  	_ =	shalt  }
0x3e: {  	_ =	shalt  }
0x3f: {  	_ =	shalt  }
0x40: {  	_ =	shalt  }
0x41: {  	_ =	shalt  }
0x42: {  	_ =	shalt  }
0x43: {  	_ =	shalt  }
0x44: {  	_ =	shalt  }
0x45: {  	_ =	shalt  }
0x46: {  	_ =	shalt  }
0x47: {  	_ =	shalt  }
0x48: {  	_ =	shalt  }
0x49: {  	_ =	shalt  }
0x4a: {  	_ =	shalt  }
0x4b: {  	_ =	shalt  }
0x4c: {  	_ =	shalt  }
0x4d: {  	_ =	shalt  }
0x4e: {  	_ =	shalt  }
0x4f: {  	_ =	shalt  }
0x50: {  	_ =	shalt  }
0x51: {  	_ =	shalt  }
0x52: {  	_ =	shalt  }
0x53: {  	_ =	shalt  }
0x54: {  	_ =	shalt  }
0x55: {  	_ =	shalt  }
0x56: {  	_ =	shalt  }
0x57: {  	_ =	shalt  }
0x58: {  	_ =	shalt  }
0x59: {  	_ =	shalt  }
0x5a: {  	_ =	shalt  }
0x5b: {  	_ =	shalt  }
0x5c: {  	_ =	shalt  }
0x5d: {  	_ =	shalt  }
0x5e: {  	_ =	shalt  }
0x5f: {  	_ =	shalt  }
0x60: {  	_ =	shalt  }
0x61: {  	_ =	shalt  }
0x62: {  	_ =	shalt  }
0x63: {  	_ =	shalt  }
0x64: {  	_ =	shalt  }
0x65: {  	_ =	shalt  }
0x66: {  	_ =	shalt  }
0x67: {  	_ =	shalt  }
0x68: {  	_ =	shalt  }
0x69: {  	_ =	shalt  }
0x6a: {  	_ =	shalt  }
0x6b: {  	_ =	shalt  }
0x6c: {  	_ =	shalt  }
0x6d: {  	_ =	shalt  }
0x6e: {  	_ =	shalt  }
0x6f: {  	_ =	shalt  }
0x70: {  	_ =	shalt  }
0x71: {  	_ =	shalt  }
0x72: {  	_ =	shalt  }
0x73: {  	_ =	shalt  }
0x74: {  	_ =	shalt  }
0x75: {  	_ =	shalt  }
0x76: {  	_ =	shalt  }
0x77: {  	_ =	shalt  }
0x78: {  	_ =	shalt  }
0x79: {  	_ =	shalt  }
0x7a: {  	_ =	shalt  }
0x7b: {  	_ =	shalt  }
0x7c: {  	_ =	shalt  }
0x7d: {  	_ =	shalt  }
0x7e: {  	_ =	shalt  }
0x7f: {  	_ =	shalt  }
0x80: {  	_ =	shalt  }
0x81: {  	_ =	shalt  }
0x82: {  	_ =	shalt  }
0x83: {  	_ =	shalt  }
0x84: {  	_ =	shalt  }
0x85: {  	_ =	shalt  }
0x86: {  	_ =	shalt  }
0x87: {  	_ =	shalt  }
.Lfunc_end0:
.L_simem_size_0:
called_computation_lowered:
.L_overlay_start_0:
0x88: {  	s2 =	sld [smem:$0x3FD9]  }
0x89: {  	s3 =	sld [smem:$0x3FFE];
	_ =	sdelay $0x1  }
0x8a: {  	s1 =	srdreg.scid  }
0x8b: {  	s0 =	sand.u32 $0x1, s1  }
0x8c: {  	s16 =	sshll.u32 s0, $0xA;
	s2 =	sadd.s32 s3, s2  }
0x8d: {  	s2 =	sadd.s32 s2, s16  }
0x8e: {  	[smem:$0x3FB9] =	sst s2  }
0x8f: {  	_ = 	snop  }
0x90: {  	(tm) =	ssettm $0x1  }
0x91: {  	s17 =	sld [smem:$0x3FFB];
	_ =	sdelay $0x3  }
0x92: {  	_ =	strace s17  }
0x93: {  	s2 =	sld [smem:$0x3FFC];
	_ =	sdelay $0x3  }
0x94: {  	_ =	strace s2  }
0x95: {  	s2 =	sld [smem:$0x3FFD];
	_ =	sdelay $0x3  }
0x96: {  	_ =	strace s2  }
0x97: {  	_ =	strace $0x8FFFFFFF  }
0x98: {  	s18 =	sld [smem:$0x3FDB];
	_ =	sdelay $0x1  }
0x99: {  	s19 =	simm.s32 $_scs_section_size  }
0x9a: {  	s4 =	simm.s32 $_size__tile_overlayer_lowered;
	s5 =	simm.s32 $_tile_overlayer_lowered  }
0x9b: {  	s22 =	simm.s32 $0x1BFF;
	s21 =	sshll.u32 s5, $0x1;
	s2 =	sadd.s32 s19, s18  }
0x9c: {  	s6 =	simm.s32 $0x0;
	s20 =	sshll.u32 s4, $0x1;
	s4 =	sadd.s32 s21, s2  }
0x9d: {  	[timem:s6], [sflag:s22] =	dma.local [hbm:s4], s20  }
0x9e: {  	_ =	swait.ge [sflag:s22], s20  }
0x9f: {  	s3 =	ssub.s32 $0x0, s20;
	[sflag:s22] =	ssyncset.done $0x0  }
0xa0: {  	[sflag:s22] =	ssyncadd.s32 s3;
	_ =	sdelay $0x1  }
0xa1: {  	s23 =	simm.s32 $0x1B8B  }
0xa2: {  	_ =	swait.ge [sflag:s23], $0x1  }
0xa3: {  	[sflag:s23] =	ssyncset.done $0x0  }
0xa4: {  	s25 =	simm.s32 $0x1B8E;
	s24 =	sld [smem:$0x3FFE];
	[sflag:s23] =	ssyncadd.s32 $0xFFFFFFFF  }
0xa5: {  	s26 =	simm.s32 $execute0_lowered;
	[smem:$0x3FD2] =	sst s25  }
0xa6: {  	s4 =	sshll.u32 s26, $0x1;
	_ =	strace $0x80000046;
	[dreg:$0x1] =	wrdreg $0xFFFFFFFF  }
0xa7: {  	s28 =	simm.s32 $_size_execute0_lowered;
	s2 =	sadd.s32 s2, s4;
	[dreg:$0x0] =	wrdreg $0x0  }
0xa8: {  	s4 =	sshll.u32 s28, $0x1;
	[dreg:$0x2] =	wrdreg s2  }
0xa9: {  	[dreg:$0x3] =	wrdreg s4  }
0xaa: {  	[dreg:$0x4] =	wrdreg $0xC0  }
0xab: {  	_ =	task [dreg:s6], $0x5FFFF  }
0xac: {  	[dreg:$0x1] =	wrdreg $0xFFFFFFFF  }
0xad: {  	[dreg:$0x0] =	wrdreg $0x60  }
0xae: {  	[dreg:$0x2] =	wrdreg s24  }
0xaf: {  	[dreg:$0x3] =	wrdreg $0x9  }
0xb0: {  	_ =	task.clear_ibuf [dreg:s6], $0x4FFFF;
	_ =	strace $0x90000046  }
0xb1: {  	s29 =	simm.s32 $0x9;
	_ =	strace $0x80000048  }
0xb2: {  	_ =	swait.ge [sflag:s29], $0x1  }
0xb3: {  	[sflag:s29] =	ssyncadd.s32 $0xFFFFFFFF  }
0xb4: {  	_ =	strace $0x90000048  }
0xb5: {  	_ =	sfence  }
0xb6: {  	s30 =	sld [smem:$0x0];
	_ =	sdelay $0x2  }
0xb7: {  	s31 =	sshll.u32 s1, $0xD;
	s1 =	sshrl.u32 s1, $0x2  }
0xb8: {  	s3 =	sand.u32 $0x4000, s31;
	s1 =	sadd.s32 s1, s30  }
0xb9: {  	s0 =	sor.u32 s3, s0;
	s1 =	sshll.u32 s1, $0x11  }
0xba: {  	s0 =	sor.u32 s1, s0  }
0xbb: {  	s0 =	sadd.s32 $0x8F2B, s0  }
0xbc: {  	[sflag:s0] =	ssyncadd.remote.s32 $0x1  }
0xbd: {  	_ =	sfence.sel $0xFFFF  }
0xbe: {  	[dreg:$0x0] =	wrdreg $0xFFFFFFFF;
	(pc) =	sbr.abs _section_cstart, $3  }
0xbf: {  	[dreg:$0x1] =	wrdreg $0xFFFFFFFF  }
0xc0: {  	_ =	task.clear_ibuf [dreg:s6], $0x2FFFF;
	_ =	strace $0x9FFFFFFF  }
0xc1: {  	(tm) =	ssettm $0x7FFFFFFF  }
tec
execute0_lowered:
.L_overlay_start_1:
0x0: {  	(tag) =	ssettag $0x1  }
0x1: {  	s1 =	srdreg.scid  }
0x2: {  	s0 =	stileid.u32;
	s24 =	sand.u32 $0x1, s1  }
0x3: {  	s31 =	sshll.u32 s0, $0xE;
	s2 =	sshll.u32 s24, $0xD  }
0x4: {  	s10 =	rddreg [dreg:$0x0];
	s11 =	sor.u32 s2, s31  }
0x5: {  	s1 =	rddreg [dreg:$0x1];
	s2 =	simm.s32 $0x0;
	s3 =	sshrl.u32 s11, $0x3  }
0x6: {  	[smem:$0x7FF] =	sst s2;
	s3 =	sadd.s32 s3, s10  }
0x7: {  	_ =	strace $0x80000047;
	s4 =	sadd.s32 $0x3E00, s3;
	s3 =	simm.s32 $0x3  }
0x8: {  	[tilespmem:s2], [sflag:$0x3] =	stream.linear.gather [hbm4b:s4+s2], $0x2000, $0x38;
	[tilespmem:$0xA000] =	vst v63  }
0x9: {  	_ =	swait.ge [sflag:s3], $0x2000  }
0xa: {  	s6 =	simm.s32 $0x400;
	[sflag:s3] =	ssyncset.done $0x0  }
0xb: {  	s7 =	simm.s32 $0x2000;
	s5 =	sadd.s32 $0x10BE00, s10;
	[sflag:s3] =	ssyncadd.s32 $0xFFFFE000  }
0xc: {  	[tilespmem:s7], [sflag:$0x1] =	stream.indirect.gather [hbm4b:s5+s6], $0x10, s2, s6, $0xb8;
	[tilespmem:$0xA000] =	vst v63  }
0xd: {  	s8 =	simm.s32 $0x6000;
	s9 =	simm.s32 $0x1  }
0xe: {  	[tilespmem:s8], [sflag:$0x2] =	stream.indirect.gather [hbm4b:s5+s6], $0x10, s6, s6, $0xb8;
	[tilespmem:$0xA000] =	vst v63  }
0xf: {  	s11 =	sshll.u32 s11, $0x1;
	_ =	swait.ge [sflag:s9], $0x4000  }
0x10: {  	s25 =	sadd.s32 s11, s10;
	[sflag:s9] =	ssyncset.done $0x0  }
0x11: {  	s10 =	sadd.s32 $0xBE00, s25;
	[sflag:s9] =	ssyncadd.s32 $0xFFFFC000  }
0x12: {  	[hbm4b:s10+s2] =	stream.linear.scatter [tilespmem:s7], [sflag:$0x3], $0x4000, $0x38;
	[tilespmem:$0xA000] =	vst v63  }
0x13: {  	_ =	swait.ge [sflag:s3], $0x4000  }
0x14: {  	[sflag:s3] =	ssyncset.done $0x0  }
0x15: {  	s12 =	simm.s32 $0x2;
	s11 =	simm.s32 $0x800;
	[sflag:s3] =	ssyncadd.s32 $0xFFFFC000  }
0x16: {  	[tilespmem:s7], [sflag:$0x1] =	stream.indirect.gather [hbm4b:s5+s6], $0x10, s11, s6, $0xb8;
	[tilespmem:$0xA000] =	vst v63  }
0x17: {  	_ =	swait.ge [sflag:s12], $0x4000  }
0x18: {  	[sflag:s12] =	ssyncset.done $0x0  }
0x19: {  	s13 =	sadd.s32 $0xC600, s25;
	[sflag:s12] =	ssyncadd.s32 $0xFFFFC000  }
0x1a: {  	[hbm4b:s13+s2] =	stream.linear.scatter [tilespmem:s8], [sflag:$0x3], $0x4000, $0x38;
	[tilespmem:$0xA000] =	vst v63  }
0x1b: {  	_ =	swait.ge [sflag:s3], $0x4000  }
0x1c: {  	[sflag:s3] =	ssyncset.done $0x0  }
0x1d: {  	s14 =	simm.s32 $0xC00;
	[sflag:s3] =	ssyncadd.s32 $0xFFFFC000  }
0x1e: {  	[tilespmem:s8], [sflag:$0x2] =	stream.indirect.gather [hbm4b:s5+s6], $0x10, s14, s6, $0xb8;
	[tilespmem:$0xA000] =	vst v63  }
0x1f: {  	_ =	swait.ge [sflag:s9], $0x4000  }
0x20: {  	[sflag:s9] =	ssyncset.done $0x0  }
0x21: {  	s15 =	sadd.s32 $0xCE00, s25;
	[sflag:s9] =	ssyncadd.s32 $0xFFFFC000  }
0x22: {  	[hbm4b:s15+s2] =	stream.linear.scatter [tilespmem:s7], [sflag:$0x3], $0x4000, $0x38;
	[tilespmem:$0xA000] =	vst v63  }
0x23: {  	_ =	swait.ge [sflag:s3], $0x4000  }
0x24: {  	[sflag:s3] =	ssyncset.done $0x0  }
0x25: {  	s16 =	simm.s32 $0x1000;
	[sflag:s3] =	ssyncadd.s32 $0xFFFFC000  }
0x26: {  	[tilespmem:s7], [sflag:$0x1] =	stream.indirect.gather [hbm4b:s5+s6], $0x10, s16, s6, $0xb8;
	[tilespmem:$0xA000] =	vst v63  }
0x27: {  	_ =	swait.ge [sflag:s12], $0x4000  }
0x28: {  	[sflag:s12] =	ssyncset.done $0x0  }
0x29: {  	s17 =	sadd.s32 $0xD600, s25;
	[sflag:s12] =	ssyncadd.s32 $0xFFFFC000  }
0x2a: {  	[hbm4b:s17+s2] =	stream.linear.scatter [tilespmem:s8], [sflag:$0x3], $0x4000, $0x38;
	[tilespmem:$0xA000] =	vst v63  }
0x2b: {  	_ =	swait.ge [sflag:s3], $0x4000  }
0x2c: {  	[sflag:s3] =	ssyncset.done $0x0  }
0x2d: {  	s18 =	simm.s32 $0x1400;
	[sflag:s3] =	ssyncadd.s32 $0xFFFFC000  }
0x2e: {  	[tilespmem:s8], [sflag:$0x2] =	stream.indirect.gather [hbm4b:s5+s6], $0x10, s18, s6, $0xb8;
	[tilespmem:$0xA000] =	vst v63  }
0x2f: {  	_ =	swait.ge [sflag:s9], $0x4000  }
0x30: {  	[sflag:s9] =	ssyncset.done $0x0  }
0x31: {  	s19 =	sadd.s32 $0xDE00, s25;
	[sflag:s9] =	ssyncadd.s32 $0xFFFFC000  }
0x32: {  	[hbm4b:s19+s2] =	stream.linear.scatter [tilespmem:s7], [sflag:$0x3], $0x4000, $0x38;
	[tilespmem:$0xA000] =	vst v63  }
0x33: {  	_ =	swait.ge [sflag:s3], $0x4000  }
0x34: {  	[sflag:s3] =	ssyncset.done $0x0  }
0x35: {  	s20 =	simm.s32 $0x1800;
	[sflag:s3] =	ssyncadd.s32 $0xFFFFC000  }
0x36: {  	[tilespmem:s7], [sflag:$0x1] =	stream.indirect.gather [hbm4b:s5+s6], $0x10, s20, s6, $0xb8;
	[tilespmem:$0xA000] =	vst v63  }
0x37: {  	_ =	swait.ge [sflag:s12], $0x4000  }
0x38: {  	[sflag:s12] =	ssyncset.done $0x0  }
0x39: {  	s21 =	sadd.s32 $0xE600, s25;
	[sflag:s12] =	ssyncadd.s32 $0xFFFFC000  }
0x3a: {  	[hbm4b:s21+s2] =	stream.linear.scatter [tilespmem:s8], [sflag:$0x3], $0x4000, $0x38;
	[tilespmem:$0xA000] =	vst v63  }
0x3b: {  	_ =	swait.ge [sflag:s3], $0x4000  }
0x3c: {  	[sflag:s3] =	ssyncset.done $0x0  }
0x3d: {  	s22 =	simm.s32 $0x1C00;
	[sflag:s3] =	ssyncadd.s32 $0xFFFFC000  }
0x3e: {  	[tilespmem:s8], [sflag:$0x2] =	stream.indirect.gather [hbm4b:s5+s6], $0x10, s22, s6, $0xb8;
	[tilespmem:$0xA000] =	vst v63  }
0x3f: {  	_ =	swait.ge [sflag:s9], $0x4000  }
0x40: {  	[sflag:s9] =	ssyncset.done $0x0  }
0x41: {  	s24 =	ssub.s32 $0x2, s24;
	s23 =	sadd.s32 $0xEE00, s25;
	[sflag:s9] =	ssyncadd.s32 $0xFFFFC000  }
0x42: {  	[hbm4b:s23+s2] =	stream.linear.scatter [tilespmem:s7], [sflag:$0x3], $0x4000, $0x38;
	[tilespmem:$0xA000] =	vst v63  }
0x43: {  	s26 =	sshrl.u32 s24, $0x1;
	_ =	swait.ge [sflag:s3], $0x4000  }
0x44: {  	s24 =	ssub.s32 s24, s26;
	[sflag:s3] =	ssyncset.done $0x0  }
0x45: {  	s26 =	smax.u32 s24, $0x1;
	[sflag:s3] =	ssyncadd.s32 $0xFFFFC000  }
0x46: {  	p0 =	sne.s32 s26, $0x1;
	_ =	swait.ge [sflag:s12], $0x4000  }
.Ltmp0:
0x47: {  	[sflag:s12] =	ssyncset.done $0x0;
	(pc) =	sbr.rel @!p0 .LBB2_2-.Ltmp0, $4  }
0x48: {  	s24 =	sadd.s32 $0xF600, s25;
	[sflag:s12] =	ssyncadd.s32 $0xFFFFC000  }
0x49: {  	[hbm4b:s24+s2] =	stream.linear.scatter [tilespmem:s8], [sflag:$0x3], $0x4000, $0x38;
	[tilespmem:$0xA000] =	vst v63  }
0x4a: {  	_ =	swait.ge [sflag:s3], $0x4000  }
0x4b: {  	s25 =	sadd.s32 $0xFFFFFFFF, s26;
	[sflag:s3] =	ssyncset.done $0x0  }
.LBB2_1:
0x4c: {  	p0 =	sne.s32 s25, $0x1;
	s25 =	sadd.s32 $0xFFFFFFFF, s25;
	[sflag:s3] =	ssyncadd.s32 $0xFFFFC000  }
0x4d: {  	[tilespmem:s2], [sflag:$0x3] =	stream.linear.gather [hbm4b:s4+s2], $0x2000, $0x38;
	[tilespmem:$0xA000] =	vst v63  }
0x4e: {  	_ =	swait.ge [sflag:s3], $0x2000  }
0x4f: {  	[sflag:s3] =	ssyncset.done $0x0  }
0x50: {  	[sflag:s3] =	ssyncadd.s32 $0xFFFFE000  }
0x51: {  	[tilespmem:s7], [sflag:$0x1] =	stream.indirect.gather [hbm4b:s5+s6], $0x10, s2, s6, $0xb8;
	[tilespmem:$0xA000] =	vst v63  }
0x52: {  	_ = 	snop  }
0x53: {  	[tilespmem:s8], [sflag:$0x2] =	stream.indirect.gather [hbm4b:s5+s6], $0x10, s6, s6, $0xb8;
	[tilespmem:$0xA000] =	vst v63  }
0x54: {  	_ =	swait.ge [sflag:s9], $0x4000  }
0x55: {  	[sflag:s9] =	ssyncset.done $0x0  }
0x56: {  	[sflag:s9] =	ssyncadd.s32 $0xFFFFC000  }
0x57: {  	[hbm4b:s10+s2] =	stream.linear.scatter [tilespmem:s7], [sflag:$0x3], $0x4000, $0x38;
	[tilespmem:$0xA000] =	vst v63  }
0x58: {  	_ =	swait.ge [sflag:s3], $0x4000  }
0x59: {  	[sflag:s3] =	ssyncset.done $0x0  }
0x5a: {  	[sflag:s3] =	ssyncadd.s32 $0xFFFFC000  }
0x5b: {  	[tilespmem:s7], [sflag:$0x1] =	stream.indirect.gather [hbm4b:s5+s6], $0x10, s11, s6, $0xb8;
	[tilespmem:$0xA000] =	vst v63  }
0x5c: {  	_ =	swait.ge [sflag:s12], $0x4000  }
0x5d: {  	[sflag:s12] =	ssyncset.done $0x0  }
0x5e: {  	[sflag:s12] =	ssyncadd.s32 $0xFFFFC000  }
0x5f: {  	[hbm4b:s13+s2] =	stream.linear.scatter [tilespmem:s8], [sflag:$0x3], $0x4000, $0x38;
	[tilespmem:$0xA000] =	vst v63  }
0x60: {  	_ =	swait.ge [sflag:s3], $0x4000  }
0x61: {  	[sflag:s3] =	ssyncset.done $0x0  }
0x62: {  	[sflag:s3] =	ssyncadd.s32 $0xFFFFC000  }
0x63: {  	[tilespmem:s8], [sflag:$0x2] =	stream.indirect.gather [hbm4b:s5+s6], $0x10, s14, s6, $0xb8;
	[tilespmem:$0xA000] =	vst v63  }
0x64: {  	_ =	swait.ge [sflag:s9], $0x4000  }
0x65: {  	[sflag:s9] =	ssyncset.done $0x0  }
0x66: {  	[sflag:s9] =	ssyncadd.s32 $0xFFFFC000  }
0x67: {  	[hbm4b:s15+s2] =	stream.linear.scatter [tilespmem:s7], [sflag:$0x3], $0x4000, $0x38;
	[tilespmem:$0xA000] =	vst v63  }
0x68: {  	_ =	swait.ge [sflag:s3], $0x4000  }
0x69: {  	[sflag:s3] =	ssyncset.done $0x0  }
0x6a: {  	[sflag:s3] =	ssyncadd.s32 $0xFFFFC000  }
0x6b: {  	[tilespmem:s7], [sflag:$0x1] =	stream.indirect.gather [hbm4b:s5+s6], $0x10, s16, s6, $0xb8;
	[tilespmem:$0xA000] =	vst v63  }
0x6c: {  	_ =	swait.ge [sflag:s12], $0x4000  }
0x6d: {  	[sflag:s12] =	ssyncset.done $0x0  }
0x6e: {  	[sflag:s12] =	ssyncadd.s32 $0xFFFFC000  }
0x6f: {  	[hbm4b:s17+s2] =	stream.linear.scatter [tilespmem:s8], [sflag:$0x3], $0x4000, $0x38;
	[tilespmem:$0xA000] =	vst v63  }
0x70: {  	_ =	swait.ge [sflag:s3], $0x4000  }
0x71: {  	[sflag:s3] =	ssyncset.done $0x0  }
0x72: {  	[sflag:s3] =	ssyncadd.s32 $0xFFFFC000  }
0x73: {  	[tilespmem:s8], [sflag:$0x2] =	stream.indirect.gather [hbm4b:s5+s6], $0x10, s18, s6, $0xb8;
	[tilespmem:$0xA000] =	vst v63  }
0x74: {  	_ =	swait.ge [sflag:s9], $0x4000  }
0x75: {  	[sflag:s9] =	ssyncset.done $0x0  }
0x76: {  	[sflag:s9] =	ssyncadd.s32 $0xFFFFC000  }
0x77: {  	[hbm4b:s19+s2] =	stream.linear.scatter [tilespmem:s7], [sflag:$0x3], $0x4000, $0x38;
	[tilespmem:$0xA000] =	vst v63  }
0x78: {  	_ =	swait.ge [sflag:s3], $0x4000  }
0x79: {  	[sflag:s3] =	ssyncset.done $0x0  }
0x7a: {  	[sflag:s3] =	ssyncadd.s32 $0xFFFFC000  }
0x7b: {  	[tilespmem:s7], [sflag:$0x1] =	stream.indirect.gather [hbm4b:s5+s6], $0x10, s20, s6, $0xb8;
	[tilespmem:$0xA000] =	vst v63  }
0x7c: {  	_ =	swait.ge [sflag:s12], $0x4000  }
0x7d: {  	[sflag:s12] =	ssyncset.done $0x0  }
0x7e: {  	[sflag:s12] =	ssyncadd.s32 $0xFFFFC000  }
0x7f: {  	[hbm4b:s21+s2] =	stream.linear.scatter [tilespmem:s8], [sflag:$0x3], $0x4000, $0x38;
	[tilespmem:$0xA000] =	vst v63  }
0x80: {  	_ =	swait.ge [sflag:s3], $0x4000  }
0x81: {  	[sflag:s3] =	ssyncset.done $0x0  }
0x82: {  	[sflag:s3] =	ssyncadd.s32 $0xFFFFC000  }
0x83: {  	[tilespmem:s8], [sflag:$0x2] =	stream.indirect.gather [hbm4b:s5+s6], $0x10, s22, s6, $0xb8;
	[tilespmem:$0xA000] =	vst v63  }
0x84: {  	_ =	swait.ge [sflag:s9], $0x4000  }
0x85: {  	[sflag:s9] =	ssyncset.done $0x0  }
0x86: {  	[sflag:s9] =	ssyncadd.s32 $0xFFFFC000  }
0x87: {  	[hbm4b:s23+s2] =	stream.linear.scatter [tilespmem:s7], [sflag:$0x3], $0x4000, $0x38;
	[tilespmem:$0xA000] =	vst v63  }
0x88: {  	_ =	swait.ge [sflag:s3], $0x4000  }
0x89: {  	[sflag:s3] =	ssyncset.done $0x0  }
0x8a: {  	[sflag:s3] =	ssyncadd.s32 $0xFFFFC000  }
0x8b: {  	_ =	swait.ge [sflag:s12], $0x4000  }
.Ltmp1:
0x8c: {  	[sflag:s12] =	ssyncset.done $0x0;
	(pc) =	sbr.rel @p0 .LBB2_1-.Ltmp1, $4  }
0x8d: {  	[sflag:s12] =	ssyncadd.s32 $0xFFFFC000  }
0x8e: {  	[hbm4b:s24+s2] =	stream.linear.scatter [tilespmem:s8], [sflag:$0x3], $0x4000, $0x38;
	[tilespmem:$0xA000] =	vst v63  }
0x8f: {  	_ =	swait.ge [sflag:s3], $0x4000  }
0x90: {  	[sflag:s3] =	ssyncset.done $0x0  }
.LBB2_2:
0x91: {  	[sflag:s3] =	ssyncadd.s32 $0xFFFFC000  }
0x92: {  	_ =	sfence.sel $0x180000  }
0x93: {  	[bflag:$0x0] =	sbarrier.arrive $0xFFFF  }
0x94: {  	p0 =	sne.s32 s0, $0x0;
	_ =	strace $0x90000047  }
0x95: {  	s0 =	sadd.s32 @!p0 $0x100000, s1;
	[bflag:$0x2] =	sbarrier.arrive $0xFFFF  }
0x96: {  	[sflag:s0] =	ssyncadd.tile.s32 @!p0 $0x1;
	_ =	shalt  }
.Lfunc_end2:
_tile_overlayer_lowered:
.L_overlay_start_2:
0x97: {  	(tag) =	ssettag $0x2  }
0x98: {  	s0 =	rddreg [dreg:$0x0];
	s2 =	stileid.u32  }
0x99: {  	s1 =	rddreg [dreg:$0x1];
	p0 =	sne.s32 s2, $0x0  }
0x9a: {  	s3 =	rddreg [dreg:$0x2];
	[bflag:$0x3] =	sbarrier.arrive $0xFFFF;
	s2 =	simm.s32 @!p0 $0x1C03  }
0x9b: {  	[timem:s3], [sflag:s2] =	dma.local @!p0 [hbm:s0], s1  }
0x9c: {  	s0 =	simm.s32 @!p0 $0x3  }
0x9d: {  	_ =	swait.ge @!p0 [sflag:s0], s1  }
0x9e: {  	s1 =	ssub.s32 @!p0 $0x0, s1;
	[sflag:s0] =	ssyncset.done @!p0 $0x0  }
0x9f: {  	[sflag:s0] =	ssyncadd.s32 @!p0 s1  }
0xa0: {  	[bflag:$0x3] =	sbarrier.arrive $0xFFFF  }
0xa1: {  	_ =	shalt  }

// kernel: kernel.17.cloned.1.call-start
scs
__scs_entry_jumppad:
0x0: {  	(pc) =	sbr.rel $0x88, $3  }
0x1: {  	(tag) =	ssettag $0x0;
	lr =	simm.s32 $0x1  }
0x2: {  	[smem:$0x3F92] =	sst lr;
	_ =	strace $0xD0000000  }
0x3: {  	_ = 	snop  }
0x4: {  	_ = 	snop  }
0x5: {  	_ = 	snop  }
0x6: {  	_ = 	snop  }
0x7: {  	_ = 	snop  }
__scs_overlays_trampoline_lowered:
0x8: {  	[smem:$0x3FA1] =	sst s0  }
0x9: {  	[smem:$0x3FA2] =	sst s1  }
0xa: {  	[smem:$0x3FA3] =	sst s2  }
0xb: {  	[smem:$0x3FA4] =	sst s3  }
0xc: {  	[smem:$0x3FA5] =	sst s4  }
0xd: {  	[smem:$0x3FA6] =	sst s5  }
0xe: {  	[smem:$0x3FA7] =	sst s6  }
0xf: {  	[smem:$0x3FA8] =	sst s7  }
0x10: {  	[smem:$0x3FA9] =	sst s8  }
0x11: {  	[smem:$0x3FAA] =	sst s9;
	s0 =	simm.s32 @!p0 $0x0  }
0x12: {  	s1 =	sld [smem:$0x3F90];
	s0 =	simm.s32 @p0 $0x1  }
0x13: {  	[smem:$0x3FAB] =	sst s0;
	s0 =	simm.s32 @!p1 $0x0  }
0x14: {  	s2 =	sld [smem:$0x3F8F];
	s0 =	simm.s32 @p1 $0x1  }
0x15: {  	[smem:$0x3FAC] =	sst s0;
	s0 =	simm.s32 @!p2 $0x0  }
0x16: {  	s3 =	sld [smem:$0x3FDB];
	s0 =	simm.s32 @p2 $0x1  }
0x17: {  	s4 =	simm.s32 $0x1BF5;
	[smem:$0x3FAE] =	sst s0  }
0x18: {  	s0 =	sld [smem:$0x3F91];
	_ =	swait.ge [sflag:s4], $0x0  }
0x19: {  	s7 =	sld [smem:$0x3F92]  }
0x1a: {  	s8 =	sadd.s32 $0xFFFFE003, lr  }
0x1b: {  	s9 =	sadd.s32 $0xFFFFFEF7, lr;
	s5 =	simm.s32 $0xFFFFFFFF;
	p2 =	slt.u32 s8, $0xFFFFF086  }
0x1c: {  	p1 =	slt.u32 s9, $0xF7A;
	s5 =	simm.s32 @!p2 $0x0  }
0x1d: {  	s5 =	simm.s32 @p1 $0x1;
	p0 =	seq.s32 s7, s2  }
0x1e: {  	s7 =	smul.u32 @!p0 $0xF7A, s2;
	p2 =	seq.s32 @!p0 s5, $0x0  }
0x1f: {  	s9 =	smul.u32 $0xF7A, s1;
	s8 =	simm.s32 @!p0 $0x1BF5;
	p2 =	por !p2, p0  }
0x20: {  	[sflag:s8] =	ssyncset.s32 @!p0 $0xFFFFF086;
	s6 =	sadd.s32 @!p0 s3, s7;
	s7 =	simm.s32 @!p0 $0x108  }
0x21: {  	s3 =	sadd.s32 s3, s9;
	s6 =	sadd.s32 @!p0 $0x88, s6;
	s7 =	simm.s32 @p2 $0x1082  }
0x22: {  	[simem:s7], [sflag:s8] =	dma.local @!p0 [hbm:s6], $0xF7A  }
0x23: {  	s9 =	sor.u32 $0xD0000000, s2;
	s6 =	simm.s32 $0x108;
	_ =	swait.ge @!p0 [sflag:s8], $0x0  }
0x24: {  	s3 =	sadd.s32 $0x88, s3;
	s6 =	simm.s32 @!p1 $0x1082;
	[sflag:s4] =	ssyncset.s32 $0xFFFFF086  }
0x25: {  	[simem:s6], [sflag:s4] =	dma.local [hbm:s3], $0xF7A  }
0x26: {  	[smem:$0x3F92] =	sst s1;
	(tag) =	ssettag s2;
	_ =	strace s9  }
0x27: {  	s1 =	sld [smem:$0x3FA2]  }
0x28: {  	s2 =	sld [smem:$0x3FA3]  }
0x29: {  	s4 =	sld [smem:$0x3FA5]  }
0x2a: {  	p0 =	seq.s32 s5, $0x0;
	s5 =	sld [smem:$0x3FA6]  }
0x2b: {  	s6 =	sld [smem:$0x3FA7]  }
0x2c: {  	s7 =	sld [smem:$0x3FA8]  }
0x2d: {  	s3 =	simm.s32 $0x108;
	s8 =	sld [smem:$0x3FA9]  }
0x2e: {  	s3 =	simm.s32 @!p0 $0x1082;
	s9 =	sld [smem:$0x3FAA]  }
0x2f: {  	lr =	sadd.s32 s0, s3;
	s0 =	sld [smem:$0x3FA1]  }
0x30: {  	s3 =	sld [smem:$0x3FA4]  }
0x31: {  	[smem:$0x3FAD] =	sst s10  }
0x32: {  	s10 =	sld [smem:$0x3FAB];
	_ =	sdelay $0x3  }
0x33: {  	p0 =	seq.s32 s10, $0x1;
	s10 =	sld [smem:$0x3FAD];
	_ =	sdelay $0x3  }
0x34: {  	[smem:$0x3FAD] =	sst s10  }
0x35: {  	s10 =	sld [smem:$0x3FAC];
	_ =	sdelay $0x3  }
0x36: {  	p1 =	seq.s32 s10, $0x1;
	s10 =	sld [smem:$0x3FAD];
	_ =	sdelay $0x3  }
0x37: {  	[smem:$0x3FAD] =	sst s10  }
0x38: {  	s10 =	sld [smem:$0x3FAE]  }
0x39: {  	_ = 	snop;
	(pc) =	sbr.ind lr, $3  }
0x3a: {  	_ = 	snop  }
0x3b: {  	_ = 	snop  }
0x3c: {  	p2 =	seq.s32 s10, $0x1;
	s10 =	sld [smem:$0x3FAD]  }
0x3d: {  	_ =	shalt  }
0x3e: {  	_ =	shalt  }
0x3f: {  	_ =	shalt  }
0x40: {  	_ =	shalt  }
0x41: {  	_ =	shalt  }
0x42: {  	_ =	shalt  }
0x43: {  	_ =	shalt  }
0x44: {  	_ =	shalt  }
0x45: {  	_ =	shalt  }
0x46: {  	_ =	shalt  }
0x47: {  	_ =	shalt  }
0x48: {  	_ =	shalt  }
0x49: {  	_ =	shalt  }
0x4a: {  	_ =	shalt  }
0x4b: {  	_ =	shalt  }
0x4c: {  	_ =	shalt  }
0x4d: {  	_ =	shalt  }
0x4e: {  	_ =	shalt  }
0x4f: {  	_ =	shalt  }
0x50: {  	_ =	shalt  }
0x51: {  	_ =	shalt  }
0x52: {  	_ =	shalt  }
0x53: {  	_ =	shalt  }
0x54: {  	_ =	shalt  }
0x55: {  	_ =	shalt  }
0x56: {  	_ =	shalt  }
0x57: {  	_ =	shalt  }
0x58: {  	_ =	shalt  }
0x59: {  	_ =	shalt  }
0x5a: {  	_ =	shalt  }
0x5b: {  	_ =	shalt  }
0x5c: {  	_ =	shalt  }
0x5d: {  	_ =	shalt  }
0x5e: {  	_ =	shalt  }
0x5f: {  	_ =	shalt  }
0x60: {  	_ =	shalt  }
0x61: {  	_ =	shalt  }
0x62: {  	_ =	shalt  }
0x63: {  	_ =	shalt  }
0x64: {  	_ =	shalt  }
0x65: {  	_ =	shalt  }
0x66: {  	_ =	shalt  }
0x67: {  	_ =	shalt  }
0x68: {  	_ =	shalt  }
0x69: {  	_ =	shalt  }
0x6a: {  	_ =	shalt  }
0x6b: {  	_ =	shalt  }
0x6c: {  	_ =	shalt  }
0x6d: {  	_ =	shalt  }
0x6e: {  	_ =	shalt  }
0x6f: {  	_ =	shalt  }
0x70: {  	_ =	shalt  }
0x71: {  	_ =	shalt  }
0x72: {  	_ =	shalt  }
0x73: {  	_ =	shalt  }
0x74: {  	_ =	shalt  }
0x75: {  	_ =	shalt  }
0x76: {  	_ =	shalt  }
0x77: {  	_ =	shalt  }
0x78: {  	_ =	shalt  }
0x79: {  	_ =	shalt  }
0x7a: {  	_ =	shalt  }
0x7b: {  	_ =	shalt  }
0x7c: {  	_ =	shalt  }
0x7d: {  	_ =	shalt  }
0x7e: {  	_ =	shalt  }
0x7f: {  	_ =	shalt  }
0x80: {  	_ =	shalt  }
0x81: {  	_ =	shalt  }
0x82: {  	_ =	shalt  }
0x83: {  	_ =	shalt  }
0x84: {  	_ =	shalt  }
0x85: {  	_ =	shalt  }
0x86: {  	_ =	shalt  }
0x87: {  	_ =	shalt  }
.Lfunc_end0:
.L_simem_size_0:
called_computation.1_lowered:
.L_overlay_start_0:
0x88: {  	s2 =	sld [smem:$0x3FD9]  }
0x89: {  	s3 =	sld [smem:$0x3FFE];
	_ =	sdelay $0x1  }
0x8a: {  	s1 =	srdreg.scid  }
0x8b: {  	s0 =	sand.u32 $0x1, s1  }
0x8c: {  	s16 =	sshll.u32 s0, $0xA;
	s2 =	sadd.s32 s3, s2  }
0x8d: {  	s2 =	sadd.s32 s2, s16  }
0x8e: {  	[smem:$0x3FB9] =	sst s2  }
0x8f: {  	_ = 	snop  }
0x90: {  	(tm) =	ssettm $0x1  }
0x91: {  	s17 =	sld [smem:$0x3FFB];
	_ =	sdelay $0x3  }
0x92: {  	_ =	strace s17  }
0x93: {  	s2 =	sld [smem:$0x3FFC];
	_ =	sdelay $0x3  }
0x94: {  	_ =	strace s2  }
0x95: {  	s2 =	sld [smem:$0x3FFD];
	_ =	sdelay $0x3  }
0x96: {  	_ =	strace s2  }
0x97: {  	_ =	strace $0x8FFFFFFF  }
0x98: {  	s18 =	sld [smem:$0x3FDB];
	_ =	sdelay $0x1  }
0x99: {  	s19 =	simm.s32 $_scs_section_size  }
0x9a: {  	s4 =	simm.s32 $_size__tile_overlayer_lowered;
	s5 =	simm.s32 $_tile_overlayer_lowered  }
0x9b: {  	s22 =	simm.s32 $0x1BFF;
	s21 =	sshll.u32 s5, $0x1;
	s2 =	sadd.s32 s19, s18  }
0x9c: {  	s6 =	simm.s32 $0x0;
	s20 =	sshll.u32 s4, $0x1;
	s4 =	sadd.s32 s21, s2  }
0x9d: {  	[timem:s6], [sflag:s22] =	dma.local [hbm:s4], s20  }
0x9e: {  	_ =	swait.ge [sflag:s22], s20  }
0x9f: {  	s3 =	ssub.s32 $0x0, s20;
	[sflag:s22] =	ssyncset.done $0x0  }
0xa0: {  	[sflag:s22] =	ssyncadd.s32 s3;
	_ =	sdelay $0x1  }
0xa1: {  	s23 =	simm.s32 $0x1B8B  }
0xa2: {  	_ =	swait.ge [sflag:s23], $0x1  }
0xa3: {  	[sflag:s23] =	ssyncset.done $0x0  }
0xa4: {  	s25 =	simm.s32 $0x1B8E;
	s24 =	sld [smem:$0x3FFE];
	[sflag:s23] =	ssyncadd.s32 $0xFFFFFFFF  }
0xa5: {  	s26 =	simm.s32 $execute0_lowered;
	[smem:$0x3FD2] =	sst s25  }
0xa6: {  	s4 =	sshll.u32 s26, $0x1;
	_ =	strace $0x80000049;
	[dreg:$0x1] =	wrdreg $0xFFFFFFFF  }
0xa7: {  	s28 =	simm.s32 $_size_execute0_lowered;
	s2 =	sadd.s32 s2, s4;
	[dreg:$0x0] =	wrdreg $0x0  }
0xa8: {  	s4 =	sshll.u32 s28, $0x1;
	[dreg:$0x2] =	wrdreg s2  }
0xa9: {  	[dreg:$0x3] =	wrdreg s4  }
0xaa: {  	[dreg:$0x4] =	wrdreg $0xC0  }
0xab: {  	_ =	task [dreg:s6], $0x5FFFF  }
0xac: {  	[dreg:$0x1] =	wrdreg $0xFFFFFFFF  }
0xad: {  	[dreg:$0x0] =	wrdreg $0x60  }
0xae: {  	[dreg:$0x2] =	wrdreg s24  }
0xaf: {  	[dreg:$0x3] =	wrdreg $0x9  }
0xb0: {  	_ =	task.clear_ibuf [dreg:s6], $0x4FFFF;
	_ =	strace $0x90000049  }
0xb1: {  	s29 =	simm.s32 $0x9;
	_ =	strace $0x8000004B  }
0xb2: {  	_ =	swait.ge [sflag:s29], $0x1  }
0xb3: {  	[sflag:s29] =	ssyncadd.s32 $0xFFFFFFFF  }
0xb4: {  	_ =	strace $0x9000004B  }
0xb5: {  	_ =	sfence  }
0xb6: {  	s30 =	sld [smem:$0x0];
	_ =	sdelay $0x2  }
0xb7: {  	s31 =	sshll.u32 s1, $0xD;
	s1 =	sshrl.u32 s1, $0x2  }
0xb8: {  	s3 =	sand.u32 $0x4000, s31;
	s1 =	sadd.s32 s1, s30  }
0xb9: {  	s0 =	sor.u32 s3, s0;
	s1 =	sshll.u32 s1, $0x11  }
0xba: {  	s0 =	sor.u32 s1, s0  }
0xbb: {  	s0 =	sadd.s32 $0x8F2B, s0  }
0xbc: {  	[sflag:s0] =	ssyncadd.remote.s32 $0x1  }
0xbd: {  	_ =	sfence.sel $0xFFFF  }
0xbe: {  	[dreg:$0x0] =	wrdreg $0xFFFFFFFF;
	(pc) =	sbr.abs _section_cstart, $3  }
0xbf: {  	[dreg:$0x1] =	wrdreg $0xFFFFFFFF  }
0xc0: {  	_ =	task.clear_ibuf [dreg:s6], $0x2FFFF;
	_ =	strace $0x9FFFFFFF  }
0xc1: {  	(tm) =	ssettm $0x7FFFFFFF  }
tec
execute0_lowered:
.L_overlay_start_1:
0x0: {  	(tag) =	ssettag $0x1  }
0x1: {  	s4 =	rddreg [dreg:$0x0]  }
0x2: {  	s2 =	srdreg.scid;
	s0 =	rddreg [dreg:$0x1]  }
0x3: {  	s1 =	stileid.u32;
	s11 =	simm.s32 $0x80;
	s12 =	simm.s32 $0x5800  }
0x4: {  	s13 =	simm.s32 $0x1;
	s14 =	simm.s32 $0x2;
	s15 =	simm.s32 $0xF80  }
0x5: {  	s16 =	simm.s32 $0x0;
	s6 =	sand.u32 $0x1, s2;
	s2 =	simm.s32 $0x0  }
0x6: {  	s3 =	sshll.u32 s1, $0xD;
	s9 =	sadd.s32 $0xA7E00, s4;
	s29 =	smul.u32 $0x24000, s1  }
0x7: {  	s5 =	sshll.u32 s6, $0xC;
	[smem:$0x7FF] =	sst s2;
	s8 =	ssub.s32 $0x2, s6  }
0x8: {  	s31 =	smul.u32 $0x12000, s6;
	s5 =	sor.u32 s5, s3;
	_ =	strace $0x8000004A  }
0x9: {  	s3 =	sadd.s32 $0x43E00, s4;
	s26 =	sshrl.u32 s8, $0x1;
	s7 =	sshrl.u32 s5, $0x3  }
0xa: {  	s10 =	smul.u32 $0x12, s5;
	s28 =	ssub.s32 s8, s26;
	s8 =	sadd.s32 s29, s9  }
0xb: {  	s7 =	sadd.s32 s7, s4;
	s5 =	smax.u32 s28, $0x1;
	s8 =	sadd.s32 s31, s8  }
0xc: {  	s4 =	sadd.s32 $0xA3E00, s7;
	s30 =	sadd.s32 s9, s10;
	s9 =	simm.s32 $0x3  }
0xd: {  	s10 =	simm.s32 $0x1000;
	s6 =	sadd.s32 $0x10E00, s30;
	s7 =	sadd.s32 $0x11700, s30  }
.LBB2_1:
0xe: {  	[tilespmem:s2], [sflag:$0x3] =	stream.linear.gather [hbm4b:s4+s2], $0x1000, $0x38;
	[tilespmem:$0xA000] =	vst v63  }
0xf: {  	_ =	swait.ge [sflag:s9], $0x1000  }
0x10: {  	[sflag:s9] =	ssyncset.done $0x0  }
0x11: {  	[sflag:s9] =	ssyncadd.s32 $0xFFFFF000  }
0x12: {  	[tilespmem:s10], [sflag:$0x1] =	stream.indirect.gather [hbm4b:s3+s11], $0x90, s2, s11, $0xb8;
	[tilespmem:$0xA000] =	vst v63  }
0x13: {  	_ = 	snop  }
0x14: {  	[tilespmem:s12], [sflag:$0x2] =	stream.indirect.gather [hbm4b:s3+s11], $0x90, s11, s11, $0xb8;
	[tilespmem:$0xA000] =	vst v63  }
0x15: {  	_ =	swait.ge [sflag:s13], $0x4800  }
0x16: {  	[sflag:s13] =	ssyncset.done $0x0  }
0x17: {  	s17 =	sadd.s32 $0x0, s8;
	[sflag:s13] =	ssyncadd.s32 $0xFFFFB800  }
0x18: {  	[hbm4b:s17+s2] =	stream.linear.scatter [tilespmem:s10], [sflag:$0x3], $0x4800, $0x38;
	[tilespmem:$0xA000] =	vst v63  }
0x19: {  	_ =	swait.ge [sflag:s9], $0x4800  }
0x1a: {  	[sflag:s9] =	ssyncset.done $0x0  }
0x1b: {  	s18 =	simm.s32 $0x100;
	[sflag:s9] =	ssyncadd.s32 $0xFFFFB800  }
0x1c: {  	[tilespmem:s10], [sflag:$0x1] =	stream.indirect.gather [hbm4b:s3+s11], $0x90, s18, s11, $0xb8;
	[tilespmem:$0xA000] =	vst v63  }
0x1d: {  	_ =	swait.ge [sflag:s14], $0x4800  }
0x1e: {  	[sflag:s14] =	ssyncset.done $0x0  }
0x1f: {  	s17 =	sadd.s32 $0x900, s17;
	[sflag:s14] =	ssyncadd.s32 $0xFFFFB800  }
0x20: {  	[hbm4b:s17+s2] =	stream.linear.scatter [tilespmem:s12], [sflag:$0x3], $0x4800, $0x38;
	[tilespmem:$0xA000] =	vst v63  }
0x21: {  	_ =	swait.ge [sflag:s9], $0x4800  }
0x22: {  	s18 =	simm.s32 $0x80;
	s17 =	simm.s32 $0x1200;
	[sflag:s9] =	ssyncset.done $0x0  }
.LBB2_2:
0x23: {  	p0 =	sne.s32 s17, $0xFC00;
	[sflag:s9] =	ssyncadd.s32 $0xFFFFB800;
	s18 =	sadd.s32 $0x100, s18  }
0x24: {  	[tilespmem:s12], [sflag:$0x2] =	stream.indirect.gather [hbm4b:s3+s11], $0x90, s18, s11, $0xb8;
	[tilespmem:$0xA000] =	vst v63  }
0x25: {  	s19 =	smov.u32 s17;
	s17 =	sadd.s32 $0x1200, s17;
	_ =	swait.ge [sflag:s13], $0x4800  }
0x26: {  	[sflag:s13] =	ssyncset.done $0x0  }
0x27: {  	s19 =	sadd.s32 s19, s8;
	[sflag:s13] =	ssyncadd.s32 $0xFFFFB800  }
0x28: {  	[hbm4b:s19+s2] =	stream.linear.scatter [tilespmem:s10], [sflag:$0x3], $0x4800, $0x38;
	[tilespmem:$0xA000] =	vst v63  }
0x29: {  	_ =	swait.ge [sflag:s9], $0x4800  }
0x2a: {  	[sflag:s9] =	ssyncset.done $0x0  }
0x2b: {  	s20 =	sadd.s32 $0x80, s18;
	[sflag:s9] =	ssyncadd.s32 $0xFFFFB800  }
0x2c: {  	[tilespmem:s10], [sflag:$0x1] =	stream.indirect.gather [hbm4b:s3+s11], $0x90, s20, s11, $0xb8;
	[tilespmem:$0xA000] =	vst v63  }
0x2d: {  	_ =	swait.ge [sflag:s14], $0x4800  }
.Ltmp0:
0x2e: {  	[sflag:s14] =	ssyncset.done $0x0;
	(pc) =	sbr.rel @p0 .LBB2_2-.Ltmp0, $4  }
0x2f: {  	s19 =	sadd.s32 $0x900, s19;
	[sflag:s14] =	ssyncadd.s32 $0xFFFFB800  }
0x30: {  	[hbm4b:s19+s2] =	stream.linear.scatter [tilespmem:s12], [sflag:$0x3], $0x4800, $0x38;
	[tilespmem:$0xA000] =	vst v63  }
0x31: {  	_ =	swait.ge [sflag:s9], $0x4800  }
0x32: {  	[sflag:s9] =	ssyncset.done $0x0  }
0x33: {  	[sflag:s9] =	ssyncadd.s32 $0xFFFFB800  }
0x34: {  	[tilespmem:s12], [sflag:$0x2] =	stream.indirect.gather [hbm4b:s3+s11], $0x90, s15, s11, $0xb8;
	[tilespmem:$0xA000] =	vst v63  }
0x35: {  	_ =	swait.ge [sflag:s13], $0x4800  }
0x36: {  	[sflag:s13] =	ssyncset.done $0x0  }
0x37: {  	[sflag:s13] =	ssyncadd.s32 $0xFFFFB800  }
0x38: {  	[hbm4b:s6+s2] =	stream.linear.scatter [tilespmem:s10], [sflag:$0x3], $0x4800, $0x38;
	[tilespmem:$0xA000] =	vst v63  }
0x39: {  	_ =	swait.ge [sflag:s9], $0x4800  }
0x3a: {  	[sflag:s9] =	ssyncset.done $0x0  }
0x3b: {  	[sflag:s9] =	ssyncadd.s32 $0xFFFFB800  }
0x3c: {  	s16 =	sadd.s32 $0x1, s16;
	_ =	swait.ge [sflag:s14], $0x4800  }
0x3d: {  	p0 =	sne.s32 s16, s5;
	[sflag:s14] =	ssyncset.done $0x0  }
.Ltmp1:
0x3e: {  	[sflag:s14] =	ssyncadd.s32 $0xFFFFB800;
	(pc) =	sbr.rel @p0 .LBB2_1-.Ltmp1, $4  }
0x3f: {  	[hbm4b:s7+s2] =	stream.linear.scatter [tilespmem:s12], [sflag:$0x3], $0x4800, $0x38;
	[tilespmem:$0xA000] =	vst v63  }
0x40: {  	_ =	swait.ge [sflag:s9], $0x4800  }
0x41: {  	[sflag:s9] =	ssyncset.done $0x0  }
0x42: {  	[sflag:s9] =	ssyncadd.s32 $0xFFFFB800  }
0x43: {  	_ =	sfence.sel $0x180000  }
0x44: {  	[bflag:$0x0] =	sbarrier.arrive $0xFFFF  }
0x45: {  	p0 =	sne.s32 s1, $0x0;
	_ =	strace $0x9000004A  }
0x46: {  	s0 =	sadd.s32 @!p0 $0x100000, s0;
	[bflag:$0x2] =	sbarrier.arrive $0xFFFF  }
0x47: {  	[sflag:s0] =	ssyncadd.tile.s32 @!p0 $0x1;
	_ =	shalt  }
.Lfunc_end2:
_tile_overlayer_lowered:
.L_overlay_start_2:
0x48: {  	(tag) =	ssettag $0x2  }
0x49: {  	s0 =	rddreg [dreg:$0x0];
	s2 =	stileid.u32  }
0x4a: {  	s1 =	rddreg [dreg:$0x1];
	p0 =	sne.s32 s2, $0x0  }
0x4b: {  	s3 =	rddreg [dreg:$0x2];
	[bflag:$0x3] =	sbarrier.arrive $0xFFFF;
	s2 =	simm.s32 @!p0 $0x1C03  }
0x4c: {  	[timem:s3], [sflag:s2] =	dma.local @!p0 [hbm:s0], s1  }
0x4d: {  	s0 =	simm.s32 @!p0 $0x3  }
0x4e: {  	_ =	swait.ge @!p0 [sflag:s0], s1  }
0x4f: {  	s1 =	ssub.s32 @!p0 $0x0, s1;
	[sflag:s0] =	ssyncset.done @!p0 $0x0  }
0x50: {  	[sflag:s0] =	ssyncadd.s32 @!p0 s1  }
0x51: {  	[bflag:$0x3] =	sbarrier.arrive $0xFFFF  }
0x52: {  	_ =	shalt  }

</sc_bundles>
